<compile_context>
chip_gen: v7x
topology: tpu7x:2x2x1
jax: 0.10.2.dev20260603
libtpu: 0.0.44.dev20260713+nightly
codegen_flags: <defaults>
</compile_context>

<pallas_src>
import functools

import jax
import jax.numpy as jnp
from jax import lax
from jax.experimental import pallas as pl
from jax.experimental.pallas import tpu as pltpu
from jax.experimental.pallas import tpu_sc as plsc

BATCH = 16384
FIELDS = 26
EMBED_DIM = 32
NUM_NODES = 1000000

NUM_CORES = 2
NUM_SUBCORES = 16
NUM_WORKERS = NUM_CORES * NUM_SUBCORES

TOTAL = BATCH * FIELDS
PER_WORKER = TOTAL // NUM_WORKERS
CHUNK = 128
GROUP = 13
ROWS_PER_GROUP = CHUNK * GROUP
NUM_GROUPS = PER_WORKER // ROWS_PER_GROUP
NUM_CHUNKS = PER_WORKER // CHUNK

RCOLS = 4096
RGRID = 62
V_QUARTER = RCOLS * RGRID
NODES_LIN = 4 * V_QUARTER

UB = 4096
UQ = UB // 4

assert PER_WORKER * NUM_WORKERS == TOTAL
assert ROWS_PER_GROUP * NUM_GROUPS == PER_WORKER


def _repack_block(w0, w1, w2, w3, out_ref):
    stacked = jnp.concatenate([w0[...], w1[...], w2[...], w3[...]], axis=0)
    out_ref[...] = jnp.transpose(stacked)


def _repack(wt):
    max_blk = NUM_NODES // RCOLS
    specs = [
        pl.BlockSpec(
            (EMBED_DIM, RCOLS),
            functools.partial(
                lambda q, i: (0, jnp.minimum(q * RGRID + i, max_blk)), q
            ),
        )
        for q in range(4)
    ]
    return pl.pallas_call(
        _repack_block,
        grid=(RGRID,),
        in_specs=specs,
        out_specs=pl.BlockSpec((RCOLS, 128), lambda i: (i, 0)),
        out_shape=jax.ShapeDtypeStruct((V_QUARTER, 128), jnp.float32),
    )(wt, wt, wt, wt)


def _unpack_block(rows_ref, out_ref):
    t = jnp.transpose(rows_ref[...])
    for q in range(4):
        out_ref[0, :, q * UQ:(q + 1) * UQ] = t[q * 32:(q + 1) * 32, :]


def _unpack(rows128):
    return pl.pallas_call(
        _unpack_block,
        grid=(FIELDS, BATCH // UB),
        in_specs=[
            pl.BlockSpec(
                (UB * EMBED_DIM // 128, 128),
                lambda f, i: (f * (BATCH // UB) + i, 0),
            )
        ],
        out_specs=pl.BlockSpec((1, EMBED_DIM, UB), lambda f, i: (f, 0, i)),
        out_shape=jax.ShapeDtypeStruct(
            (FIELDS, EMBED_DIM, BATCH), jnp.float32
        ),
    )(rows128)


@functools.partial(
    pl.kernel,
    mesh=plsc.VectorSubcoreMesh(core_axis_name="c", subcore_axis_name="s"),
    out_type=jax.ShapeDtypeStruct((TOTAL, EMBED_DIM), jnp.float32),
    scratch_types=[
        pltpu.VMEM((NUM_CHUNKS, CHUNK), jnp.int32),
        pltpu.VMEM((ROWS_PER_GROUP, EMBED_DIM), jnp.float32),
        pltpu.SemaphoreType.DMA,
        pltpu.SemaphoreType.DMA,
    ],
    compiler_params=pltpu.CompilerParams(use_tc_tiling_on_sc=False),
)
def _gather_kernel(idx_hbm, table_hbm, out_hbm, idx_v, rows_v, gsem, osem):
    wid = lax.axis_index("s") * NUM_CORES + lax.axis_index("c")
    base = wid * PER_WORKER
    pltpu.sync_copy(idx_hbm.at[wid], idx_v)

    def group_body(g, _):
        copies = []
        for j in range(GROUP):
            c = pltpu.async_copy(
                table_hbm.at[idx_v.at[g * GROUP + j]],
                rows_v.at[pl.ds(j * CHUNK, CHUNK)],
                gsem,
            )
            copies.append(c)
        for c in copies:
            c.wait()
        pltpu.async_copy(
            rows_v,
            out_hbm.at[pl.ds(base + g * ROWS_PER_GROUP, ROWS_PER_GROUP)],
            osem,
        ).wait()
        return ()

    lax.fori_loop(0, NUM_GROUPS, group_body, ())


def kernel(indices, weight):
    idx = indices.astype(jnp.int32)
    idx = (idx % V_QUARTER) * 4 + idx // V_QUARTER
    idx = jnp.transpose(idx)
    idx = idx.reshape(FIELDS, BATCH // UB, 4, UQ)
    idx = jnp.transpose(idx, (0, 1, 3, 2))
    idx = idx.reshape(NUM_WORKERS, NUM_CHUNKS, CHUNK)
    table_lin = _repack(jnp.transpose(weight)).reshape(NODES_LIN, EMBED_DIM)
    rows = _gather_kernel(idx, table_lin)
    out_t = _unpack(rows.reshape(TOTAL * EMBED_DIM // 128, 128))
    return jnp.transpose(out_t, (2, 0, 1))

# --- scband reference (transcript-rebuilt; emitter-appended) ---
"""Pipeline reference for scband-poincare-embedding-25125558682317 (READ-ONLY COPY).

The authoritative reference and input builder live on the scoring server;
editing this copy changes nothing except your own understanding.
"""

import jax, jax.numpy as jnp
import numpy as np

NUM_NODES = 1000000
EMBED_DIM = 32
BATCH = 16384
FIELDS = 26

def setup_inputs(seed: int = 0) -> dict:
    key = jax.random.key(seed)
    k_idx, k_w = jax.random.split(key)
    indices = jax.random.randint(k_idx, (BATCH, FIELDS), 0, NUM_NODES, dtype=jnp.int64 if jax.config.jax_enable_x64 else jnp.int32)
    # embedding weight initialized uniform in [-0.001, 0.001] as in the torch module
    weight = jax.random.uniform(k_w, (NUM_NODES, EMBED_DIM), dtype=jnp.float32, minval=-0.001, maxval=0.001)
    return {"indices": indices, "weight": weight}

def reference(indices, weight):
    # PoincareEmbedding.forward: plain embedding gather
    return jnp.take(weight, indices, axis=0)

if __name__ == "__main__":
    import jax
    _d = setup_inputs()
    print(jax.jit(kernel)(*tuple(_d.values())))

</pallas_src>

<mosaic_0001>
#map = affine_map<(d0, d1) -> (0, 0, 0)>
#map1 = affine_map<(d0, d1) -> (0, 0)>
module attributes {stable_mosaic.version = 14 : i64} {
  func.func @_gather_kernel(%arg0: i32, %arg1: i32, %arg2: memref<32x104x128xi32, #tpu.memory_space<hbm>>, %arg3: memref<1015808x32xf32, #tpu.memory_space<hbm>>, %arg4: memref<425984x32xf32, #tpu.memory_space<hbm>>, %arg5: memref<104x128xi32, #tpu.memory_space<vmem>>, %arg6: memref<1664x32xf32, #tpu.memory_space<vmem>>, %arg7: memref<!tpu.dma_semaphore, #tpu.memory_space<semaphore_mem>>, %arg8: memref<!tpu.dma_semaphore, #tpu.memory_space<semaphore_mem>>) attributes {dimension_semantics = [#tpu.dimension_semantics<core_parallel>, #tpu.dimension_semantics<subcore_parallel>], iteration_bounds = array<i64: 2, 16>, scalar_prefetch = 0 : i64, scratch_operands = 4 : i64, tpu.core_type = #tpu.core_type<sc_vector_subcore>, window_params = [{transform_indices = #map}, {transform_indices = #map1}, {transform_indices = #map1}]} {
    %mul3A = arith.constant 2 : i32
    %mul3A_0 = arith.muli %arg1, %mul3A : i32
    %add3A = arith.addi %mul3A_0, %arg0 : i32
    %mul3A_1 = arith.constant 13312 : i32
    %mul3A_2 = arith.muli %add3A, %mul3A_1 : i32
    "tpu.region"() ({
      %run_scoped3A = tpu.sem_alloc : memref<!tpu.dma_semaphore, #tpu.memory_space<semaphore_mem>>
      %dma_start3A = arith.constant 0 : i32
      %dma_start3A_7 = arith.constant 0 : i32
      %dma_start3A_8 = tpu.memref_slice %arg2[%add3A, %dma_start3A, %dma_start3A_7] : memref<32x104x128xi32, #tpu.memory_space<hbm>> -> memref<1x104x128xi32, #tpu.memory_space<hbm>>
      %dma_start3A_9 = tpu.memref_squeeze %dma_start3A_8 : memref<1x104x128xi32, #tpu.memory_space<hbm>> -> memref<104x128xi32, #tpu.memory_space<hbm>>
      %dma_start3A_10 = arith.constant 0 : i32
      %dma_start3A_11 = arith.constant 0 : i32
      %dma_start3A_12 = tpu.memref_slice %arg2[%add3A, %dma_start3A_10, %dma_start3A_11] : memref<32x104x128xi32, #tpu.memory_space<hbm>> -> memref<1x104x128xi32, #tpu.memory_space<hbm>>
      %dma_start3A_13 = tpu.memref_squeeze %dma_start3A_12 : memref<1x104x128xi32, #tpu.memory_space<hbm>> -> memref<104x128xi32, #tpu.memory_space<hbm>>
      tpu.enqueue_dma source(%dma_start3A_13 : memref<104x128xi32, #tpu.memory_space<hbm>>) target(%arg5 : memref<104x128xi32, #tpu.memory_space<vmem>>) target_semaphore(%run_scoped3A : memref<!tpu.dma_semaphore, #tpu.memory_space<semaphore_mem>>)
      %dma_wait3A = arith.constant 0 : i32
      %dma_wait3A_14 = arith.constant 0 : i32
      %dma_wait3A_15 = tpu.memref_slice %arg2[%add3A, %dma_wait3A, %dma_wait3A_14] : memref<32x104x128xi32, #tpu.memory_space<hbm>> -> memref<1x104x128xi32, #tpu.memory_space<hbm>>
      %dma_wait3A_16 = tpu.memref_squeeze %dma_wait3A_15 : memref<1x104x128xi32, #tpu.memory_space<hbm>> -> memref<104x128xi32, #tpu.memory_space<hbm>>
      %dma_wait3A_17 = arith.constant 0 : i32
      %dma_wait3A_18 = arith.constant 0 : i32
      %dma_wait3A_19 = tpu.memref_slice %arg2[%add3A, %dma_wait3A_17, %dma_wait3A_18] : memref<32x104x128xi32, #tpu.memory_space<hbm>> -> memref<1x104x128xi32, #tpu.memory_space<hbm>>
      %dma_wait3A_20 = tpu.memref_squeeze %dma_wait3A_19 : memref<1x104x128xi32, #tpu.memory_space<hbm>> -> memref<104x128xi32, #tpu.memory_space<hbm>>
      tpu.wait_dma2 semaphore(%run_scoped3A : memref<!tpu.dma_semaphore, #tpu.memory_space<semaphore_mem>>) src(%dma_wait3A_20 : memref<104x128xi32, #tpu.memory_space<hbm>>) dst(%arg5 : memref<104x128xi32, #tpu.memory_space<vmem>>)
      tpu.yield
    }) : () -> ()
    %scan3A = arith.constant 0 : i32
    %scan3A_3 = arith.constant 8 : i32
    %scan3A_4 = arith.addi %scan3A, %scan3A_3 : i32
    %scan3A_5 = arith.constant 1 : i32
    scf.for %scan3A_7 = %scan3A to %scan3A_4 step %scan3A_5  : i32 {
      %mul3A_8 = arith.constant 13 : i32
      %mul3A_9 = arith.muli %scan3A_7, %mul3A_8 : i32
      %add3A_10 = arith.constant 0 : i32
      %add3A_11 = arith.addi %mul3A_9, %add3A_10 : i32
      %dma_start3A = arith.constant 0 : i32
      %dma_start3A_12 = arith.constant 0 : i32
      %dma_start3A_13 = tpu.memref_slice %arg6[%dma_start3A, %dma_start3A_12] : memref<1664x32xf32, #tpu.memory_space<vmem>> -> memref<128x32xf32, #tpu.memory_space<vmem>>
      %dma_start3A_14 = arith.constant 0 : i32
      %dma_start3A_15 = tpu.memref_slice %arg5[%add3A_11, %dma_start3A_14] : memref<104x128xi32, #tpu.memory_space<vmem>> -> memref<1x128xi32, #tpu.memory_space<vmem>>
      %dma_start3A_16 = tpu.memref_squeeze %dma_start3A_15 : memref<1x128xi32, #tpu.memory_space<vmem>> -> memref<128xi32, #tpu.memory_space<vmem>>
      %dma_start3A_17 = arith.constant 0 : i32
      %dma_start3A_18 = arith.constant 0 : i32
      %dma_start3A_19 = tpu.memref_slice %arg3[%dma_start3A_17, %dma_start3A_18] : memref<1015808x32xf32, #tpu.memory_space<hbm>> -> memref<1015808x32xf32, #tpu.memory_space<hbm>>
      tpu.enqueue_indirect_dma source(%dma_start3A_19 : memref<1015808x32xf32, #tpu.memory_space<hbm>>) target(%dma_start3A_13 : memref<128x32xf32, #tpu.memory_space<vmem>>) offsets(%dma_start3A_16 : memref<128xi32, #tpu.memory_space<vmem>>) semaphore(%arg7 : memref<!tpu.dma_semaphore, #tpu.memory_space<semaphore_mem>>)
      %mul3A_20 = arith.constant 13 : i32
      %mul3A_21 = arith.muli %scan3A_7, %mul3A_20 : i32
      %add3A_22 = arith.constant 1 : i32
      %add3A_23 = arith.addi %mul3A_21, %add3A_22 : i32
      %dma_start3A_24 = arith.constant 128 : i32
      %dma_start3A_25 = arith.constant 0 : i32
      %dma_start3A_26 = tpu.memref_slice %arg6[%dma_start3A_24, %dma_start3A_25] : memref<1664x32xf32, #tpu.memory_space<vmem>> -> memref<128x32xf32, #tpu.memory_space<vmem>>
      %dma_start3A_27 = arith.constant 0 : i32
      %dma_start3A_28 = tpu.memref_slice %arg5[%add3A_23, %dma_start3A_27] : memref<104x128xi32, #tpu.memory_space<vmem>> -> memref<1x128xi32, #tpu.memory_space<vmem>>
      %dma_start3A_29 = tpu.memref_squeeze %dma_start3A_28 : memref<1x128xi32, #tpu.memory_space<vmem>> -> memref<128xi32, #tpu.memory_space<vmem>>
      %dma_start3A_30 = arith.constant 0 : i32
      %dma_start3A_31 = arith.constant 0 : i32
      %dma_start3A_32 = tpu.memref_slice %arg3[%dma_start3A_30, %dma_start3A_31] : memref<1015808x32xf32, #tpu.memory_space<hbm>> -> memref<1015808x32xf32, #tpu.memory_space<hbm>>
      tpu.enqueue_indirect_dma source(%dma_start3A_32 : memref<1015808x32xf32, #tpu.memory_space<hbm>>) target(%dma_start3A_26 : memref<128x32xf32, #tpu.memory_space<vmem>>) offsets(%dma_start3A_29 : memref<128xi32, #tpu.memory_space<vmem>>) semaphore(%arg7 : memref<!tpu.dma_semaphore, #tpu.memory_space<semaphore_mem>>)
      %mul3A_33 = arith.constant 13 : i32
      %mul3A_34 = arith.muli %scan3A_7, %mul3A_33 : i32
      %add3A_35 = arith.constant 2 : i32
      %add3A_36 = arith.addi %mul3A_34, %add3A_35 : i32
      %dma_start3A_37 = arith.constant 256 : i32
      %dma_start3A_38 = arith.constant 0 : i32
      %dma_start3A_39 = tpu.memref_slice %arg6[%dma_start3A_37, %dma_start3A_38] : memref<1664x32xf32, #tpu.memory_space<vmem>> -> memref<128x32xf32, #tpu.memory_space<vmem>>
      %dma_start3A_40 = arith.constant 0 : i32
      %dma_start3A_41 = tpu.memref_slice %arg5[%add3A_36, %dma_start3A_40] : memref<104x128xi32, #tpu.memory_space<vmem>> -> memref<1x128xi32, #tpu.memory_space<vmem>>
      %dma_start3A_42 = tpu.memref_squeeze %dma_start3A_41 : memref<1x128xi32, #tpu.memory_space<vmem>> -> memref<128xi32, #tpu.memory_space<vmem>>
      %dma_start3A_43 = arith.constant 0 : i32
      %dma_start3A_44 = arith.constant 0 : i32
      %dma_start3A_45 = tpu.memref_slice %arg3[%dma_start3A_43, %dma_start3A_44] : memref<1015808x32xf32, #tpu.memory_space<hbm>> -> memref<1015808x32xf32, #tpu.memory_space<hbm>>
      tpu.enqueue_indirect_dma source(%dma_start3A_45 : memref<1015808x32xf32, #tpu.memory_space<hbm>>) target(%dma_start3A_39 : memref<128x32xf32, #tpu.memory_space<vmem>>) offsets(%dma_start3A_42 : memref<128xi32, #tpu.memory_space<vmem>>) semaphore(%arg7 : memref<!tpu.dma_semaphore, #tpu.memory_space<semaphore_mem>>)
      %mul3A_46 = arith.constant 13 : i32
      %mul3A_47 = arith.muli %scan3A_7, %mul3A_46 : i32
      %add3A_48 = arith.constant 3 : i32
      %add3A_49 = arith.addi %mul3A_47, %add3A_48 : i32
      %dma_start3A_50 = arith.constant 384 : i32
      %dma_start3A_51 = arith.constant 0 : i32
      %dma_start3A_52 = tpu.memref_slice %arg6[%dma_start3A_50, %dma_start3A_51] : memref<1664x32xf32, #tpu.memory_space<vmem>> -> memref<128x32xf32, #tpu.memory_space<vmem>>
      %dma_start3A_53 = arith.constant 0 : i32
      %dma_start3A_54 = tpu.memref_slice %arg5[%add3A_49, %dma_start3A_53] : memref<104x128xi32, #tpu.memory_space<vmem>> -> memref<1x128xi32, #tpu.memory_space<vmem>>
      %dma_start3A_55 = tpu.memref_squeeze %dma_start3A_54 : memref<1x128xi32, #tpu.memory_space<vmem>> -> memref<128xi32, #tpu.memory_space<vmem>>
      %dma_start3A_56 = arith.constant 0 : i32
      %dma_start3A_57 = arith.constant 0 : i32
      %dma_start3A_58 = tpu.memref_slice %arg3[%dma_start3A_56, %dma_start3A_57] : memref<1015808x32xf32, #tpu.memory_space<hbm>> -> memref<1015808x32xf32, #tpu.memory_space<hbm>>
      tpu.enqueue_indirect_dma source(%dma_start3A_58 : memref<1015808x32xf32, #tpu.memory_space<hbm>>) target(%dma_start3A_52 : memref<128x32xf32, #tpu.memory_space<vmem>>) offsets(%dma_start3A_55 : memref<128xi32, #tpu.memory_space<vmem>>) semaphore(%arg7 : memref<!tpu.dma_semaphore, #tpu.memory_space<semaphore_mem>>)
      %mul3A_59 = arith.constant 13 : i32
      %mul3A_60 = arith.muli %scan3A_7, %mul3A_59 : i32
      %add3A_61 = arith.constant 4 : i32
      %add3A_62 = arith.addi %mul3A_60, %add3A_61 : i32
      %dma_start3A_63 = arith.constant 512 : i32
      %dma_start3A_64 = arith.constant 0 : i32
      %dma_start3A_65 = tpu.memref_slice %arg6[%dma_start3A_63, %dma_start3A_64] : memref<1664x32xf32, #tpu.memory_space<vmem>> -> memref<128x32xf32, #tpu.memory_space<vmem>>
      %dma_start3A_66 = arith.constant 0 : i32
      %dma_start3A_67 = tpu.memref_slice %arg5[%add3A_62, %dma_start3A_66] : memref<104x128xi32, #tpu.memory_space<vmem>> -> memref<1x128xi32, #tpu.memory_space<vmem>>
      %dma_start3A_68 = tpu.memref_squeeze %dma_start3A_67 : memref<1x128xi32, #tpu.memory_space<vmem>> -> memref<128xi32, #tpu.memory_space<vmem>>
      %dma_start3A_69 = arith.constant 0 : i32
      %dma_start3A_70 = arith.constant 0 : i32
      %dma_start3A_71 = tpu.memref_slice %arg3[%dma_start3A_69, %dma_start3A_70] : memref<1015808x32xf32, #tpu.memory_space<hbm>> -> memref<1015808x32xf32, #tpu.memory_space<hbm>>
      tpu.enqueue_indirect_dma source(%dma_start3A_71 : memref<1015808x32xf32, #tpu.memory_space<hbm>>) target(%dma_start3A_65 : memref<128x32xf32, #tpu.memory_space<vmem>>) offsets(%dma_start3A_68 : memref<128xi32, #tpu.memory_space<vmem>>) semaphore(%arg7 : memref<!tpu.dma_semaphore, #tpu.memory_space<semaphore_mem>>)
      %mul3A_72 = arith.constant 13 : i32
      %mul3A_73 = arith.muli %scan3A_7, %mul3A_72 : i32
      %add3A_74 = arith.constant 5 : i32
      %add3A_75 = arith.addi %mul3A_73, %add3A_74 : i32
      %dma_start3A_76 = arith.constant 640 : i32
      %dma_start3A_77 = arith.constant 0 : i32
      %dma_start3A_78 = tpu.memref_slice %arg6[%dma_start3A_76, %dma_start3A_77] : memref<1664x32xf32, #tpu.memory_space<vmem>> -> memref<128x32xf32, #tpu.memory_space<vmem>>
      %dma_start3A_79 = arith.constant 0 : i32
      %dma_start3A_80 = tpu.memref_slice %arg5[%add3A_75, %dma_start3A_79] : memref<104x128xi32, #tpu.memory_space<vmem>> -> memref<1x128xi32, #tpu.memory_space<vmem>>
      %dma_start3A_81 = tpu.memref_squeeze %dma_start3A_80 : memref<1x128xi32, #tpu.memory_space<vmem>> -> memref<128xi32, #tpu.memory_space<vmem>>
      %dma_start3A_82 = arith.constant 0 : i32
      %dma_start3A_83 = arith.constant 0 : i32
      %dma_start3A_84 = tpu.memref_slice %arg3[%dma_start3A_82, %dma_start3A_83] : memref<1015808x32xf32, #tpu.memory_space<hbm>> -> memref<1015808x32xf32, #tpu.memory_space<hbm>>
      tpu.enqueue_indirect_dma source(%dma_start3A_84 : memref<1015808x32xf32, #tpu.memory_space<hbm>>) target(%dma_start3A_78 : memref<128x32xf32, #tpu.memory_space<vmem>>) offsets(%dma_start3A_81 : memref<128xi32, #tpu.memory_space<vmem>>) semaphore(%arg7 : memref<!tpu.dma_semaphore, #tpu.memory_space<semaphore_mem>>)
      %mul3A_85 = arith.constant 13 : i32
      %mul3A_86 = arith.muli %scan3A_7, %mul3A_85 : i32
      %add3A_87 = arith.constant 6 : i32
      %add3A_88 = arith.addi %mul3A_86, %add3A_87 : i32
      %dma_start3A_89 = arith.constant 768 : i32
      %dma_start3A_90 = arith.constant 0 : i32
      %dma_start3A_91 = tpu.memref_slice %arg6[%dma_start3A_89, %dma_start3A_90] : memref<1664x32xf32, #tpu.memory_space<vmem>> -> memref<128x32xf32, #tpu.memory_space<vmem>>
      %dma_start3A_92 = arith.constant 0 : i32
      %dma_start3A_93 = tpu.memref_slice %arg5[%add3A_88, %dma_start3A_92] : memref<104x128xi32, #tpu.memory_space<vmem>> -> memref<1x128xi32, #tpu.memory_space<vmem>>
      %dma_start3A_94 = tpu.memref_squeeze %dma_start3A_93 : memref<1x128xi32, #tpu.memory_space<vmem>> -> memref<128xi32, #tpu.memory_space<vmem>>
      %dma_start3A_95 = arith.constant 0 : i32
      %dma_start3A_96 = arith.constant 0 : i32
      %dma_start3A_97 = tpu.memref_slice %arg3[%dma_start3A_95, %dma_start3A_96] : memref<1015808x32xf32, #tpu.memory_space<hbm>> -> memref<1015808x32xf32, #tpu.memory_space<hbm>>
      tpu.enqueue_indirect_dma source(%dma_start3A_97 : memref<1015808x32xf32, #tpu.memory_space<hbm>>) target(%dma_start3A_91 : memref<128x32xf32, #tpu.memory_space<vmem>>) offsets(%dma_start3A_94 : memref<128xi32, #tpu.memory_space<vmem>>) semaphore(%arg7 : memref<!tpu.dma_semaphore, #tpu.memory_space<semaphore_mem>>)
      %mul3A_98 = arith.constant 13 : i32
      %mul3A_99 = arith.muli %scan3A_7, %mul3A_98 : i32
      %add3A_100 = arith.constant 7 : i32
      %add3A_101 = arith.addi %mul3A_99, %add3A_100 : i32
      %dma_start3A_102 = arith.constant 896 : i32
      %dma_start3A_103 = arith.constant 0 : i32
      %dma_start3A_104 = tpu.memref_slice %arg6[%dma_start3A_102, %dma_start3A_103] : memref<1664x32xf32, #tpu.memory_space<vmem>> -> memref<128x32xf32, #tpu.memory_space<vmem>>
      %dma_start3A_105 = arith.constant 0 : i32
      %dma_start3A_106 = tpu.memref_slice %arg5[%add3A_101, %dma_start3A_105] : memref<104x128xi32, #tpu.memory_space<vmem>> -> memref<1x128xi32, #tpu.memory_space<vmem>>
      %dma_start3A_107 = tpu.memref_squeeze %dma_start3A_106 : memref<1x128xi32, #tpu.memory_space<vmem>> -> memref<128xi32, #tpu.memory_space<vmem>>
      %dma_start3A_108 = arith.constant 0 : i32
      %dma_start3A_109 = arith.constant 0 : i32
      %dma_start3A_110 = tpu.memref_slice %arg3[%dma_start3A_108, %dma_start3A_109] : memref<1015808x32xf32, #tpu.memory_space<hbm>> -> memref<1015808x32xf32, #tpu.memory_space<hbm>>
      tpu.enqueue_indirect_dma source(%dma_start3A_110 : memref<1015808x32xf32, #tpu.memory_space<hbm>>) target(%dma_start3A_104 : memref<128x32xf32, #tpu.memory_space<vmem>>) offsets(%dma_start3A_107 : memref<128xi32, #tpu.memory_space<vmem>>) semaphore(%arg7 : memref<!tpu.dma_semaphore, #tpu.memory_space<semaphore_mem>>)
      %mul3A_111 = arith.constant 13 : i32
      %mul3A_112 = arith.muli %scan3A_7, %mul3A_111 : i32
      %add3A_113 = arith.constant 8 : i32
      %add3A_114 = arith.addi %mul3A_112, %add3A_113 : i32
      %dma_start3A_115 = arith.constant 1024 : i32
      %dma_start3A_116 = arith.constant 0 : i32
      %dma_start3A_117 = tpu.memref_slice %arg6[%dma_start3A_115, %dma_start3A_116] : memref<1664x32xf32, #tpu.memory_space<vmem>> -> memref<128x32xf32, #tpu.memory_space<vmem>>
      %dma_start3A_118 = arith.constant 0 : i32
      %dma_start3A_119 = tpu.memref_slice %arg5[%add3A_114, %dma_start3A_118] : memref<104x128xi32, #tpu.memory_space<vmem>> -> memref<1x128xi32, #tpu.memory_space<vmem>>
      %dma_start3A_120 = tpu.memref_squeeze %dma_start3A_119 : memref<1x128xi32, #tpu.memory_space<vmem>> -> memref<128xi32, #tpu.memory_space<vmem>>
      %dma_start3A_121 = arith.constant 0 : i32
      %dma_start3A_122 = arith.constant 0 : i32
      %dma_start3A_123 = tpu.memref_slice %arg3[%dma_start3A_121, %dma_start3A_122] : memref<1015808x32xf32, #tpu.memory_space<hbm>> -> memref<1015808x32xf32, #tpu.memory_space<hbm>>
      tpu.enqueue_indirect_dma source(%dma_start3A_123 : memref<1015808x32xf32, #tpu.memory_space<hbm>>) target(%dma_start3A_117 : memref<128x32xf32, #tpu.memory_space<vmem>>) offsets(%dma_start3A_120 : memref<128xi32, #tpu.memory_space<vmem>>) semaphore(%arg7 : memref<!tpu.dma_semaphore, #tpu.memory_space<semaphore_mem>>)
      %mul3A_124 = arith.constant 13 : i32
      %mul3A_125 = arith.muli %scan3A_7, %mul3A_124 : i32
      %add3A_126 = arith.constant 9 : i32
      %add3A_127 = arith.addi %mul3A_125, %add3A_126 : i32
      %dma_start3A_128 = arith.constant 1152 : i32
      %dma_start3A_129 = arith.constant 0 : i32
      %dma_start3A_130 = tpu.memref_slice %arg6[%dma_start3A_128, %dma_start3A_129] : memref<1664x32xf32, #tpu.memory_space<vmem>> -> memref<128x32xf32, #tpu.memory_space<vmem>>
      %dma_start3A_131 = arith.constant 0 : i32
      %dma_start3A_132 = tpu.memref_slice %arg5[%add3A_127, %dma_start3A_131] : memref<104x128xi32, #tpu.memory_space<vmem>> -> memref<1x128xi32, #tpu.memory_space<vmem>>
      %dma_start3A_133 = tpu.memref_squeeze %dma_start3A_132 : memref<1x128xi32, #tpu.memory_space<vmem>> -> memref<128xi32, #tpu.memory_space<vmem>>
      %dma_start3A_134 = arith.constant 0 : i32
      %dma_start3A_135 = arith.constant 0 : i32
      %dma_start3A_136 = tpu.memref_slice %arg3[%dma_start3A_134, %dma_start3A_135] : memref<1015808x32xf32, #tpu.memory_space<hbm>> -> memref<1015808x32xf32, #tpu.memory_space<hbm>>
      tpu.enqueue_indirect_dma source(%dma_start3A_136 : memref<1015808x32xf32, #tpu.memory_space<hbm>>) target(%dma_start3A_130 : memref<128x32xf32, #tpu.memory_space<vmem>>) offsets(%dma_start3A_133 : memref<128xi32, #tpu.memory_space<vmem>>) semaphore(%arg7 : memref<!tpu.dma_semaphore, #tpu.memory_space<semaphore_mem>>)
      %mul3A_137 = arith.constant 13 : i32
      %mul3A_138 = arith.muli %scan3A_7, %mul3A_137 : i32
      %add3A_139 = arith.constant 10 : i32
      %add3A_140 = arith.addi %mul3A_138, %add3A_139 : i32
      %dma_start3A_141 = arith.constant 1280 : i32
      %dma_start3A_142 = arith.constant 0 : i32
      %dma_start3A_143 = tpu.memref_slice %arg6[%dma_start3A_141, %dma_start3A_142] : memref<1664x32xf32, #tpu.memory_space<vmem>> -> memref<128x32xf32, #tpu.memory_space<vmem>>
      %dma_start3A_144 = arith.constant 0 : i32
      %dma_start3A_145 = tpu.memref_slice %arg5[%add3A_140, %dma_start3A_144] : memref<104x128xi32, #tpu.memory_space<vmem>> -> memref<1x128xi32, #tpu.memory_space<vmem>>
      %dma_start3A_146 = tpu.memref_squeeze %dma_start3A_145 : memref<1x128xi32, #tpu.memory_space<vmem>> -> memref<128xi32, #tpu.memory_space<vmem>>
      %dma_start3A_147 = arith.constant 0 : i32
      %dma_start3A_148 = arith.constant 0 : i32
      %dma_start3A_149 = tpu.memref_slice %arg3[%dma_start3A_147, %dma_start3A_148] : memref<1015808x32xf32, #tpu.memory_space<hbm>> -> memref<1015808x32xf32, #tpu.memory_space<hbm>>
      tpu.enqueue_indirect_dma source(%dma_start3A_149 : memref<1015808x32xf32, #tpu.memory_space<hbm>>) target(%dma_start3A_143 : memref<128x32xf32, #tpu.memory_space<vmem>>) offsets(%dma_start3A_146 : memref<128xi32, #tpu.memory_space<vmem>>) semaphore(%arg7 : memref<!tpu.dma_semaphore, #tpu.memory_space<semaphore_mem>>)
      %mul3A_150 = arith.constant 13 : i32
      %mul3A_151 = arith.muli %scan3A_7, %mul3A_150 : i32
      %add3A_152 = arith.constant 11 : i32
      %add3A_153 = arith.addi %mul3A_151, %add3A_152 : i32
      %dma_start3A_154 = arith.constant 1408 : i32
      %dma_start3A_155 = arith.constant 0 : i32
      %dma_start3A_156 = tpu.memref_slice %arg6[%dma_start3A_154, %dma_start3A_155] : memref<1664x32xf32, #tpu.memory_space<vmem>> -> memref<128x32xf32, #tpu.memory_space<vmem>>
      %dma_start3A_157 = arith.constant 0 : i32
      %dma_start3A_158 = tpu.memref_slice %arg5[%add3A_153, %dma_start3A_157] : memref<104x128xi32, #tpu.memory_space<vmem>> -> memref<1x128xi32, #tpu.memory_space<vmem>>
      %dma_start3A_159 = tpu.memref_squeeze %dma_start3A_158 : memref<1x128xi32, #tpu.memory_space<vmem>> -> memref<128xi32, #tpu.memory_space<vmem>>
      %dma_start3A_160 = arith.constant 0 : i32
      %dma_start3A_161 = arith.constant 0 : i32
      %dma_start3A_162 = tpu.memref_slice %arg3[%dma_start3A_160, %dma_start3A_161] : memref<1015808x32xf32, #tpu.memory_space<hbm>> -> memref<1015808x32xf32, #tpu.memory_space<hbm>>
      tpu.enqueue_indirect_dma source(%dma_start3A_162 : memref<1015808x32xf32, #tpu.memory_space<hbm>>) target(%dma_start3A_156 : memref<128x32xf32, #tpu.memory_space<vmem>>) offsets(%dma_start3A_159 : memref<128xi32, #tpu.memory_space<vmem>>) semaphore(%arg7 : memref<!tpu.dma_semaphore, #tpu.memory_space<semaphore_mem>>)
      %mul3A_163 = arith.constant 13 : i32
      %mul3A_164 = arith.muli %scan3A_7, %mul3A_163 : i32
      %add3A_165 = arith.constant 12 : i32
      %add3A_166 = arith.addi %mul3A_164, %add3A_165 : i32
      %dma_start3A_167 = arith.constant 1536 : i32
      %dma_start3A_168 = arith.constant 0 : i32
      %dma_start3A_169 = tpu.memref_slice %arg6[%dma_start3A_167, %dma_start3A_168] : memref<1664x32xf32, #tpu.memory_space<vmem>> -> memref<128x32xf32, #tpu.memory_space<vmem>>
      %dma_start3A_170 = arith.constant 0 : i32
      %dma_start3A_171 = tpu.memref_slice %arg5[%add3A_166, %dma_start3A_170] : memref<104x128xi32, #tpu.memory_space<vmem>> -> memref<1x128xi32, #tpu.memory_space<vmem>>
      %dma_start3A_172 = tpu.memref_squeeze %dma_start3A_171 : memref<1x128xi32, #tpu.memory_space<vmem>> -> memref<128xi32, #tpu.memory_space<vmem>>
      %dma_start3A_173 = arith.constant 0 : i32
      %dma_start3A_174 = arith.constant 0 : i32
      %dma_start3A_175 = tpu.memref_slice %arg3[%dma_start3A_173, %dma_start3A_174] : memref<1015808x32xf32, #tpu.memory_space<hbm>> -> memref<1015808x32xf32, #tpu.memory_space<hbm>>
      tpu.enqueue_indirect_dma source(%dma_start3A_175 : memref<1015808x32xf32, #tpu.memory_space<hbm>>) target(%dma_start3A_169 : memref<128x32xf32, #tpu.memory_space<vmem>>) offsets(%dma_start3A_172 : memref<128xi32, #tpu.memory_space<vmem>>) semaphore(%arg7 : memref<!tpu.dma_semaphore, #tpu.memory_space<semaphore_mem>>)
      %dma_wait3A = arith.constant 0 : i32
      %dma_wait3A_176 = arith.constant 0 : i32
      %dma_wait3A_177 = tpu.memref_slice %arg6[%dma_wait3A, %dma_wait3A_176] : memref<1664x32xf32, #tpu.memory_space<vmem>> -> memref<128x32xf32, #tpu.memory_space<vmem>>
      %dma_wait3A_178 = arith.constant 0 : i32
      %dma_wait3A_179 = tpu.memref_slice %arg5[%add3A_11, %dma_wait3A_178] : memref<104x128xi32, #tpu.memory_space<vmem>> -> memref<1x128xi32, #tpu.memory_space<vmem>>
      %dma_wait3A_180 = tpu.memref_squeeze %dma_wait3A_179 : memref<1x128xi32, #tpu.memory_space<vmem>> -> memref<128xi32, #tpu.memory_space<vmem>>
      %dma_wait3A_181 = arith.constant 0 : i32
      %dma_wait3A_182 = arith.constant 0 : i32
      %dma_wait3A_183 = tpu.memref_slice %arg3[%dma_wait3A_181, %dma_wait3A_182] : memref<1015808x32xf32, #tpu.memory_space<hbm>> -> memref<1015808x32xf32, #tpu.memory_space<hbm>>
      tpu.wait_indirect_dma semaphore(%arg7 : memref<!tpu.dma_semaphore, #tpu.memory_space<semaphore_mem>>) src(%dma_wait3A_183 : memref<1015808x32xf32, #tpu.memory_space<hbm>>) dst(%dma_wait3A_177 : memref<128x32xf32, #tpu.memory_space<vmem>>)
      %dma_wait3A_184 = arith.constant 128 : i32
      %dma_wait3A_185 = arith.constant 0 : i32
      %dma_wait3A_186 = tpu.memref_slice %arg6[%dma_wait3A_184, %dma_wait3A_185] : memref<1664x32xf32, #tpu.memory_space<vmem>> -> memref<128x32xf32, #tpu.memory_space<vmem>>
      %dma_wait3A_187 = arith.constant 0 : i32
      %dma_wait3A_188 = tpu.memref_slice %arg5[%add3A_23, %dma_wait3A_187] : memref<104x128xi32, #tpu.memory_space<vmem>> -> memref<1x128xi32, #tpu.memory_space<vmem>>
      %dma_wait3A_189 = tpu.memref_squeeze %dma_wait3A_188 : memref<1x128xi32, #tpu.memory_space<vmem>> -> memref<128xi32, #tpu.memory_space<vmem>>
      %dma_wait3A_190 = arith.constant 0 : i32
      %dma_wait3A_191 = arith.constant 0 : i32
      %dma_wait3A_192 = tpu.memref_slice %arg3[%dma_wait3A_190, %dma_wait3A_191] : memref<1015808x32xf32, #tpu.memory_space<hbm>> -> memref<1015808x32xf32, #tpu.memory_space<hbm>>
      tpu.wait_indirect_dma semaphore(%arg7 : memref<!tpu.dma_semaphore, #tpu.memory_space<semaphore_mem>>) src(%dma_wait3A_192 : memref<1015808x32xf32, #tpu.memory_space<hbm>>) dst(%dma_wait3A_186 : memref<128x32xf32, #tpu.memory_space<vmem>>)
      %dma_wait3A_193 = arith.constant 256 : i32
      %dma_wait3A_194 = arith.constant 0 : i32
      %dma_wait3A_195 = tpu.memref_slice %arg6[%dma_wait3A_193, %dma_wait3A_194] : memref<1664x32xf32, #tpu.memory_space<vmem>> -> memref<128x32xf32, #tpu.memory_space<vmem>>
      %dma_wait3A_196 = arith.constant 0 : i32
      %dma_wait3A_197 = tpu.memref_slice %arg5[%add3A_36, %dma_wait3A_196] : memref<104x128xi32, #tpu.memory_space<vmem>> -> memref<1x128xi32, #tpu.memory_space<vmem>>
      %dma_wait3A_198 = tpu.memref_squeeze %dma_wait3A_197 : memref<1x128xi32, #tpu.memory_space<vmem>> -> memref<128xi32, #tpu.memory_space<vmem>>
      %dma_wait3A_199 = arith.constant 0 : i32
      %dma_wait3A_200 = arith.constant 0 : i32
      %dma_wait3A_201 = tpu.memref_slice %arg3[%dma_wait3A_199, %dma_wait3A_200] : memref<1015808x32xf32, #tpu.memory_space<hbm>> -> memref<1015808x32xf32, #tpu.memory_space<hbm>>
      tpu.wait_indirect_dma semaphore(%arg7 : memref<!tpu.dma_semaphore, #tpu.memory_space<semaphore_mem>>) src(%dma_wait3A_201 : memref<1015808x32xf32, #tpu.memory_space<hbm>>) dst(%dma_wait3A_195 : memref<128x32xf32, #tpu.memory_space<vmem>>)
      %dma_wait3A_202 = arith.constant 384 : i32
      %dma_wait3A_203 = arith.constant 0 : i32
      %dma_wait3A_204 = tpu.memref_slice %arg6[%dma_wait3A_202, %dma_wait3A_203] : memref<1664x32xf32, #tpu.memory_space<vmem>> -> memref<128x32xf32, #tpu.memory_space<vmem>>
      %dma_wait3A_205 = arith.constant 0 : i32
      %dma_wait3A_206 = tpu.memref_slice %arg5[%add3A_49, %dma_wait3A_205] : memref<104x128xi32, #tpu.memory_space<vmem>> -> memref<1x128xi32, #tpu.memory_space<vmem>>
      %dma_wait3A_207 = tpu.memref_squeeze %dma_wait3A_206 : memref<1x128xi32, #tpu.memory_space<vmem>> -> memref<128xi32, #tpu.memory_space<vmem>>
      %dma_wait3A_208 = arith.constant 0 : i32
      %dma_wait3A_209 = arith.constant 0 : i32
      %dma_wait3A_210 = tpu.memref_slice %arg3[%dma_wait3A_208, %dma_wait3A_209] : memref<1015808x32xf32, #tpu.memory_space<hbm>> -> memref<1015808x32xf32, #tpu.memory_space<hbm>>
      tpu.wait_indirect_dma semaphore(%arg7 : memref<!tpu.dma_semaphore, #tpu.memory_space<semaphore_mem>>) src(%dma_wait3A_210 : memref<1015808x32xf32, #tpu.memory_space<hbm>>) dst(%dma_wait3A_204 : memref<128x32xf32, #tpu.memory_space<vmem>>)
      %dma_wait3A_211 = arith.constant 512 : i32
      %dma_wait3A_212 = arith.constant 0 : i32
      %dma_wait3A_213 = tpu.memref_slice %arg6[%dma_wait3A_211, %dma_wait3A_212] : memref<1664x32xf32, #tpu.memory_space<vmem>> -> memref<128x32xf32, #tpu.memory_space<vmem>>
      %dma_wait3A_214 = arith.constant 0 : i32
      %dma_wait3A_215 = tpu.memref_slice %arg5[%add3A_62, %dma_wait3A_214] : memref<104x128xi32, #tpu.memory_space<vmem>> -> memref<1x128xi32, #tpu.memory_space<vmem>>
      %dma_wait3A_216 = tpu.memref_squeeze %dma_wait3A_215 : memref<1x128xi32, #tpu.memory_space<vmem>> -> memref<128xi32, #tpu.memory_space<vmem>>
      %dma_wait3A_217 = arith.constant 0 : i32
      %dma_wait3A_218 = arith.constant 0 : i32
      %dma_wait3A_219 = tpu.memref_slice %arg3[%dma_wait3A_217, %dma_wait3A_218] : memref<1015808x32xf32, #tpu.memory_space<hbm>> -> memref<1015808x32xf32, #tpu.memory_space<hbm>>
      tpu.wait_indirect_dma semaphore(%arg7 : memref<!tpu.dma_semaphore, #tpu.memory_space<semaphore_mem>>) src(%dma_wait3A_219 : memref<1015808x32xf32, #tpu.memory_space<hbm>>) dst(%dma_wait3A_213 : memref<128x32xf32, #tpu.memory_space<vmem>>)
      %dma_wait3A_220 = arith.constant 640 : i32
      %dma_wait3A_221 = arith.constant 0 : i32
      %dma_wait3A_222 = tpu.memref_slice %arg6[%dma_wait3A_220, %dma_wait3A_221] : memref<1664x32xf32, #tpu.memory_space<vmem>> -> memref<128x32xf32, #tpu.memory_space<vmem>>
      %dma_wait3A_223 = arith.constant 0 : i32
      %dma_wait3A_224 = tpu.memref_slice %arg5[%add3A_75, %dma_wait3A_223] : memref<104x128xi32, #tpu.memory_space<vmem>> -> memref<1x128xi32, #tpu.memory_space<vmem>>
      %dma_wait3A_225 = tpu.memref_squeeze %dma_wait3A_224 : memref<1x128xi32, #tpu.memory_space<vmem>> -> memref<128xi32, #tpu.memory_space<vmem>>
      %dma_wait3A_226 = arith.constant 0 : i32
      %dma_wait3A_227 = arith.constant 0 : i32
      %dma_wait3A_228 = tpu.memref_slice %arg3[%dma_wait3A_226, %dma_wait3A_227] : memref<1015808x32xf32, #tpu.memory_space<hbm>> -> memref<1015808x32xf32, #tpu.memory_space<hbm>>
      tpu.wait_indirect_dma semaphore(%arg7 : memref<!tpu.dma_semaphore, #tpu.memory_space<semaphore_mem>>) src(%dma_wait3A_228 : memref<1015808x32xf32, #tpu.memory_space<hbm>>) dst(%dma_wait3A_222 : memref<128x32xf32, #tpu.memory_space<vmem>>)
      %dma_wait3A_229 = arith.constant 768 : i32
      %dma_wait3A_230 = arith.constant 0 : i32
      %dma_wait3A_231 = tpu.memref_slice %arg6[%dma_wait3A_229, %dma_wait3A_230] : memref<1664x32xf32, #tpu.memory_space<vmem>> -> memref<128x32xf32, #tpu.memory_space<vmem>>
      %dma_wait3A_232 = arith.constant 0 : i32
      %dma_wait3A_233 = tpu.memref_slice %arg5[%add3A_88, %dma_wait3A_232] : memref<104x128xi32, #tpu.memory_space<vmem>> -> memref<1x128xi32, #tpu.memory_space<vmem>>
      %dma_wait3A_234 = tpu.memref_squeeze %dma_wait3A_233 : memref<1x128xi32, #tpu.memory_space<vmem>> -> memref<128xi32, #tpu.memory_space<vmem>>
      %dma_wait3A_235 = arith.constant 0 : i32
      %dma_wait3A_236 = arith.constant 0 : i32
      %dma_wait3A_237 = tpu.memref_slice %arg3[%dma_wait3A_235, %dma_wait3A_236] : memref<1015808x32xf32, #tpu.memory_space<hbm>> -> memref<1015808x32xf32, #tpu.memory_space<hbm>>
      tpu.wait_indirect_dma semaphore(%arg7 : memref<!tpu.dma_semaphore, #tpu.memory_space<semaphore_mem>>) src(%dma_wait3A_237 : memref<1015808x32xf32, #tpu.memory_space<hbm>>) dst(%dma_wait3A_231 : memref<128x32xf32, #tpu.memory_space<vmem>>)
      %dma_wait3A_238 = arith.constant 896 : i32
      %dma_wait3A_239 = arith.constant 0 : i32
      %dma_wait3A_240 = tpu.memref_slice %arg6[%dma_wait3A_238, %dma_wait3A_239] : memref<1664x32xf32, #tpu.memory_space<vmem>> -> memref<128x32xf32, #tpu.memory_space<vmem>>
      %dma_wait3A_241 = arith.constant 0 : i32
      %dma_wait3A_242 = tpu.memref_slice %arg5[%add3A_101, %dma_wait3A_241] : memref<104x128xi32, #tpu.memory_space<vmem>> -> memref<1x128xi32, #tpu.memory_space<vmem>>
      %dma_wait3A_243 = tpu.memref_squeeze %dma_wait3A_242 : memref<1x128xi32, #tpu.memory_space<vmem>> -> memref<128xi32, #tpu.memory_space<vmem>>
      %dma_wait3A_244 = arith.constant 0 : i32
      %dma_wait3A_245 = arith.constant 0 : i32
      %dma_wait3A_246 = tpu.memref_slice %arg3[%dma_wait3A_244, %dma_wait3A_245] : memref<1015808x32xf32, #tpu.memory_space<hbm>> -> memref<1015808x32xf32, #tpu.memory_space<hbm>>
      tpu.wait_indirect_dma semaphore(%arg7 : memref<!tpu.dma_semaphore, #tpu.memory_space<semaphore_mem>>) src(%dma_wait3A_246 : memref<1015808x32xf32, #tpu.memory_space<hbm>>) dst(%dma_wait3A_240 : memref<128x32xf32, #tpu.memory_space<vmem>>)
      %dma_wait3A_247 = arith.constant 1024 : i32
      %dma_wait3A_248 = arith.constant 0 : i32
      %dma_wait3A_249 = tpu.memref_slice %arg6[%dma_wait3A_247, %dma_wait3A_248] : memref<1664x32xf32, #tpu.memory_space<vmem>> -> memref<128x32xf32, #tpu.memory_space<vmem>>
      %dma_wait3A_250 = arith.constant 0 : i32
      %dma_wait3A_251 = tpu.memref_slice %arg5[%add3A_114, %dma_wait3A_250] : memref<104x128xi32, #tpu.memory_space<vmem>> -> memref<1x128xi32, #tpu.memory_space<vmem>>
      %dma_wait3A_252 = tpu.memref_squeeze %dma_wait3A_251 : memref<1x128xi32, #tpu.memory_space<vmem>> -> memref<128xi32, #tpu.memory_space<vmem>>
      %dma_wait3A_253 = arith.constant 0 : i32
      %dma_wait3A_254 = arith.constant 0 : i32
      %dma_wait3A_255 = tpu.memref_slice %arg3[%dma_wait3A_253, %dma_wait3A_254] : memref<1015808x32xf32, #tpu.memory_space<hbm>> -> memref<1015808x32xf32, #tpu.memory_space<hbm>>
      tpu.wait_indirect_dma semaphore(%arg7 : memref<!tpu.dma_semaphore, #tpu.memory_space<semaphore_mem>>) src(%dma_wait3A_255 : memref<1015808x32xf32, #tpu.memory_space<hbm>>) dst(%dma_wait3A_249 : memref<128x32xf32, #tpu.memory_space<vmem>>)
      %dma_wait3A_256 = arith.constant 1152 : i32
      %dma_wait3A_257 = arith.constant 0 : i32
      %dma_wait3A_258 = tpu.memref_slice %arg6[%dma_wait3A_256, %dma_wait3A_257] : memref<1664x32xf32, #tpu.memory_space<vmem>> -> memref<128x32xf32, #tpu.memory_space<vmem>>
      %dma_wait3A_259 = arith.constant 0 : i32
      %dma_wait3A_260 = tpu.memref_slice %arg5[%add3A_127, %dma_wait3A_259] : memref<104x128xi32, #tpu.memory_space<vmem>> -> memref<1x128xi32, #tpu.memory_space<vmem>>
      %dma_wait3A_261 = tpu.memref_squeeze %dma_wait3A_260 : memref<1x128xi32, #tpu.memory_space<vmem>> -> memref<128xi32, #tpu.memory_space<vmem>>
      %dma_wait3A_262 = arith.constant 0 : i32
      %dma_wait3A_263 = arith.constant 0 : i32
      %dma_wait3A_264 = tpu.memref_slice %arg3[%dma_wait3A_262, %dma_wait3A_263] : memref<1015808x32xf32, #tpu.memory_space<hbm>> -> memref<1015808x32xf32, #tpu.memory_space<hbm>>
      tpu.wait_indirect_dma semaphore(%arg7 : memref<!tpu.dma_semaphore, #tpu.memory_space<semaphore_mem>>) src(%dma_wait3A_264 : memref<1015808x32xf32, #tpu.memory_space<hbm>>) dst(%dma_wait3A_258 : memref<128x32xf32, #tpu.memory_space<vmem>>)
      %dma_wait3A_265 = arith.constant 1280 : i32
      %dma_wait3A_266 = arith.constant 0 : i32
      %dma_wait3A_267 = tpu.memref_slice %arg6[%dma_wait3A_265, %dma_wait3A_266] : memref<1664x32xf32, #tpu.memory_space<vmem>> -> memref<128x32xf32, #tpu.memory_space<vmem>>
      %dma_wait3A_268 = arith.constant 0 : i32
      %dma_wait3A_269 = tpu.memref_slice %arg5[%add3A_140, %dma_wait3A_268] : memref<104x128xi32, #tpu.memory_space<vmem>> -> memref<1x128xi32, #tpu.memory_space<vmem>>
      %dma_wait3A_270 = tpu.memref_squeeze %dma_wait3A_269 : memref<1x128xi32, #tpu.memory_space<vmem>> -> memref<128xi32, #tpu.memory_space<vmem>>
      %dma_wait3A_271 = arith.constant 0 : i32
      %dma_wait3A_272 = arith.constant 0 : i32
      %dma_wait3A_273 = tpu.memref_slice %arg3[%dma_wait3A_271, %dma_wait3A_272] : memref<1015808x32xf32, #tpu.memory_space<hbm>> -> memref<1015808x32xf32, #tpu.memory_space<hbm>>
      tpu.wait_indirect_dma semaphore(%arg7 : memref<!tpu.dma_semaphore, #tpu.memory_space<semaphore_mem>>) src(%dma_wait3A_273 : memref<1015808x32xf32, #tpu.memory_space<hbm>>) dst(%dma_wait3A_267 : memref<128x32xf32, #tpu.memory_space<vmem>>)
      %dma_wait3A_274 = arith.constant 1408 : i32
      %dma_wait3A_275 = arith.constant 0 : i32
      %dma_wait3A_276 = tpu.memref_slice %arg6[%dma_wait3A_274, %dma_wait3A_275] : memref<1664x32xf32, #tpu.memory_space<vmem>> -> memref<128x32xf32, #tpu.memory_space<vmem>>
      %dma_wait3A_277 = arith.constant 0 : i32
      %dma_wait3A_278 = tpu.memref_slice %arg5[%add3A_153, %dma_wait3A_277] : memref<104x128xi32, #tpu.memory_space<vmem>> -> memref<1x128xi32, #tpu.memory_space<vmem>>
      %dma_wait3A_279 = tpu.memref_squeeze %dma_wait3A_278 : memref<1x128xi32, #tpu.memory_space<vmem>> -> memref<128xi32, #tpu.memory_space<vmem>>
      %dma_wait3A_280 = arith.constant 0 : i32
      %dma_wait3A_281 = arith.constant 0 : i32
      %dma_wait3A_282 = tpu.memref_slice %arg3[%dma_wait3A_280, %dma_wait3A_281] : memref<1015808x32xf32, #tpu.memory_space<hbm>> -> memref<1015808x32xf32, #tpu.memory_space<hbm>>
      tpu.wait_indirect_dma semaphore(%arg7 : memref<!tpu.dma_semaphore, #tpu.memory_space<semaphore_mem>>) src(%dma_wait3A_282 : memref<1015808x32xf32, #tpu.memory_space<hbm>>) dst(%dma_wait3A_276 : memref<128x32xf32, #tpu.memory_space<vmem>>)
      %dma_wait3A_283 = arith.constant 1536 : i32
      %dma_wait3A_284 = arith.constant 0 : i32
      %dma_wait3A_285 = tpu.memref_slice %arg6[%dma_wait3A_283, %dma_wait3A_284] : memref<1664x32xf32, #tpu.memory_space<vmem>> -> memref<128x32xf32, #tpu.memory_space<vmem>>
      %dma_wait3A_286 = arith.constant 0 : i32
      %dma_wait3A_287 = tpu.memref_slice %arg5[%add3A_166, %dma_wait3A_286] : memref<104x128xi32, #tpu.memory_space<vmem>> -> memref<1x128xi32, #tpu.memory_space<vmem>>
      %dma_wait3A_288 = tpu.memref_squeeze %dma_wait3A_287 : memref<1x128xi32, #tpu.memory_space<vmem>> -> memref<128xi32, #tpu.memory_space<vmem>>
      %dma_wait3A_289 = arith.constant 0 : i32
      %dma_wait3A_290 = arith.constant 0 : i32
      %dma_wait3A_291 = tpu.memref_slice %arg3[%dma_wait3A_289, %dma_wait3A_290] : memref<1015808x32xf32, #tpu.memory_space<hbm>> -> memref<1015808x32xf32, #tpu.memory_space<hbm>>
      tpu.wait_indirect_dma semaphore(%arg7 : memref<!tpu.dma_semaphore, #tpu.memory_space<semaphore_mem>>) src(%dma_wait3A_291 : memref<1015808x32xf32, #tpu.memory_space<hbm>>) dst(%dma_wait3A_285 : memref<128x32xf32, #tpu.memory_space<vmem>>)
      %mul3A_292 = arith.constant 1664 : i32
      %mul3A_293 = arith.muli %scan3A_7, %mul3A_292 : i32
      %add3A_294 = arith.addi %mul3A_2, %mul3A_293 : i32
      %dma_start3A_295 = arith.constant 0 : i32
      %dma_start3A_296 = tpu.memref_slice %arg4[%add3A_294, %dma_start3A_295] : memref<425984x32xf32, #tpu.memory_space<hbm>> -> memref<1664x32xf32, #tpu.memory_space<hbm>>
      %dma_start3A_297 = arith.constant 0 : i32
      %dma_start3A_298 = tpu.memref_slice %arg4[%add3A_294, %dma_start3A_297] : memref<425984x32xf32, #tpu.memory_space<hbm>> -> memref<1664x32xf32, #tpu.memory_space<hbm>>
      tpu.enqueue_dma source(%arg6 : memref<1664x32xf32, #tpu.memory_space<vmem>>) target(%dma_start3A_298 : memref<1664x32xf32, #tpu.memory_space<hbm>>) target_semaphore(%arg8 : memref<!tpu.dma_semaphore, #tpu.memory_space<semaphore_mem>>)
      %dma_wait3A_299 = arith.constant 0 : i32
      %dma_wait3A_300 = tpu.memref_slice %arg4[%add3A_294, %dma_wait3A_299] : memref<425984x32xf32, #tpu.memory_space<hbm>> -> memref<1664x32xf32, #tpu.memory_space<hbm>>
      %dma_wait3A_301 = arith.constant 0 : i32
      %dma_wait3A_302 = tpu.memref_slice %arg4[%add3A_294, %dma_wait3A_301] : memref<425984x32xf32, #tpu.memory_space<hbm>> -> memref<1664x32xf32, #tpu.memory_space<hbm>>
      tpu.wait_dma2 semaphore(%arg8 : memref<!tpu.dma_semaphore, #tpu.memory_space<semaphore_mem>>) src(%arg6 : memref<1664x32xf32, #tpu.memory_space<vmem>>) dst(%dma_wait3A_302 : memref<1664x32xf32, #tpu.memory_space<hbm>>)
    }
    %scan3A_6 = arith.constant 8 : i32
    return
  }
}

module attributes {stable_mosaic.version = 14 : i64} {
  func.func @_repack_block(%arg0: i32, %arg1: memref<32x4096xf32, #tpu.memory_space<vmem>>, %arg2: memref<32x4096xf32, #tpu.memory_space<vmem>>, %arg3: memref<32x4096xf32, #tpu.memory_space<vmem>>, %arg4: memref<32x4096xf32, #tpu.memory_space<vmem>>, %arg5: memref<4096x128xf32, #tpu.memory_space<vmem>>) attributes {dimension_semantics = [#tpu.dimension_semantics<arbitrary>], iteration_bounds = array<i64: 62>, scalar_prefetch = 0 : i64, scratch_operands = 0 : i64, tpu.core_type = #tpu.core_type<tc>, window_params = [{transform_indices = @transform_0, window_bounds = array<i64: 32, 4096>}, {transform_indices = @transform_1, window_bounds = array<i64: 32, 4096>}, {transform_indices = @transform_2, window_bounds = array<i64: 32, 4096>}, {transform_indices = @transform_3, window_bounds = array<i64: 32, 4096>}, {transform_indices = @transform_4, window_bounds = array<i64: 4096, 128>}]} {
    %get3A = arith.constant 0 : index
    %get3A_0 = arith.constant 0 : index
    %get3A_1 = vector.load %arg1[%get3A, %get3A_0] : memref<32x4096xf32, #tpu.memory_space<vmem>>, vector<32x4096xf32>
    %get3A_2 = arith.constant 0 : index
    %get3A_3 = arith.constant 0 : index
    %get3A_4 = vector.load %arg2[%get3A_2, %get3A_3] : memref<32x4096xf32, #tpu.memory_space<vmem>>, vector<32x4096xf32>
    %get3A_5 = arith.constant 0 : index
    %get3A_6 = arith.constant 0 : index
    %get3A_7 = vector.load %arg3[%get3A_5, %get3A_6] : memref<32x4096xf32, #tpu.memory_space<vmem>>, vector<32x4096xf32>
    %get3A_8 = arith.constant 0 : index
    %get3A_9 = arith.constant 0 : index
    %get3A_10 = vector.load %arg4[%get3A_8, %get3A_9] : memref<32x4096xf32, #tpu.memory_space<vmem>>, vector<32x4096xf32>
    %concatenate3A = tpu.concatenate %get3A_1, %get3A_4, %get3A_7, %get3A_10 in 0 : vector<32x4096xf32>, vector<32x4096xf32>, vector<32x4096xf32>, vector<32x4096xf32> -> vector<128x4096xf32>
    %transpose3A = tpu.transpose %concatenate3A, [1, 0] : vector<128x4096xf32> -> vector<4096x128xf32>
    %swap3A = arith.constant 0 : index
    %swap3A_11 = arith.constant 0 : index
    %swap3A_12 = vector.load %arg5[%swap3A, %swap3A_11] : memref<4096x128xf32, #tpu.memory_space<vmem>>, vector<4096x128xf32>
    tpu.vector_store %arg5[%swap3A, %swap3A_11], %transpose3A {strides = array<i32>} : memref<4096x128xf32, #tpu.memory_space<vmem>>, vector<4096x128xf32>,
    return
  }
  func.func @transform_0(%arg0: i32) -> (i32, i32) {
    %add3A = arith.constant 0 : i32
    %add3A_0 = arith.addi %add3A, %arg0 : i32
    %min3A = arith.constant 244 : i32
    %min3A_1 = arith.minsi %add3A_0, %min3A : i32
    %c0_i32 = arith.constant 0 : i32
    %c0_i32_2 = arith.constant 0 : i32
    return %c0_i32, %min3A_1 : i32, i32
  }
  func.func @transform_1(%arg0: i32) -> (i32, i32) {
    %add3A = arith.constant 62 : i32
    %add3A_0 = arith.addi %add3A, %arg0 : i32
    %min3A = arith.constant 244 : i32
    %min3A_1 = arith.minsi %add3A_0, %min3A : i32
    %c0_i32 = arith.constant 0 : i32
    %c0_i32_2 = arith.constant 0 : i32
    return %c0_i32, %min3A_1 : i32, i32
  }
  func.func @transform_2(%arg0: i32) -> (i32, i32) {
    %add3A = arith.constant 124 : i32
    %add3A_0 = arith.addi %add3A, %arg0 : i32
    %min3A = arith.constant 244 : i32
    %min3A_1 = arith.minsi %add3A_0, %min3A : i32
    %c0_i32 = arith.constant 0 : i32
    %c0_i32_2 = arith.constant 0 : i32
    return %c0_i32, %min3A_1 : i32, i32
  }
  func.func @transform_3(%arg0: i32) -> (i32, i32) {
    %add3A = arith.constant 186 : i32
    %add3A_0 = arith.addi %add3A, %arg0 : i32
    %min3A = arith.constant 244 : i32
    %min3A_1 = arith.minsi %add3A_0, %min3A : i32
    %c0_i32 = arith.constant 0 : i32
    %c0_i32_2 = arith.constant 0 : i32
    return %c0_i32, %min3A_1 : i32, i32
  }
  func.func @transform_4(%arg0: i32) -> (i32, i32) {
    %c0_i32 = arith.constant 0 : i32
    %c0_i32_0 = arith.constant 0 : i32
    return %arg0, %c0_i32 : i32, i32
  }
}

module attributes {stable_mosaic.version = 14 : i64} {
  func.func @_unpack_block(%arg0: i32, %arg1: i32, %arg2: memref<1024x128xf32, #tpu.memory_space<vmem>>, %arg3: memref<1x32x4096xf32, #tpu.memory_space<vmem>>) attributes {dimension_semantics = [#tpu.dimension_semantics<arbitrary>, #tpu.dimension_semantics<arbitrary>], iteration_bounds = array<i64: 26, 4>, scalar_prefetch = 0 : i64, scratch_operands = 0 : i64, tpu.core_type = #tpu.core_type<tc>, window_params = [{transform_indices = @transform_0, window_bounds = array<i64: 1024, 128>}, {transform_indices = @transform_1, window_bounds = array<i64: 1, 32, 4096>}]} {
    %get3A = arith.constant 0 : index
    %get3A_0 = arith.constant 0 : index
    %get3A_1 = vector.load %arg2[%get3A, %get3A_0] : memref<1024x128xf32, #tpu.memory_space<vmem>>, vector<1024x128xf32>
    %transpose3A = tpu.transpose %get3A_1, [1, 0] : vector<1024x128xf32> -> vector<128x1024xf32>
    %slice3A = vector.extract_strided_slice %transpose3A {offsets = [0, 0], sizes = [32, 1024], strides = [1, 1]} : vector<128x1024xf32> to vector<32x1024xf32>
    %swap3A = arith.constant 0 : index
    %swap3A_2 = arith.constant 0 : index
    %swap3A_3 = arith.constant 0 : index
    %swap3A_4 = vector.load %arg3[%swap3A, %swap3A_2, %swap3A_3] : memref<1x32x4096xf32, #tpu.memory_space<vmem>>, vector<1x32x1024xf32>
    %swap3A_5 = vector.shape_cast %swap3A_4 : vector<1x32x1024xf32> to vector<32x1024xf32>
    %swap3A_6 = vector.shape_cast %slice3A : vector<32x1024xf32> to vector<1x32x1024xf32>
    tpu.vector_store %arg3[%swap3A, %swap3A_2, %swap3A_3], %swap3A_6 {strides = array<i32>} : memref<1x32x4096xf32, #tpu.memory_space<vmem>>, vector<1x32x1024xf32>,
    %slice3A_7 = vector.extract_strided_slice %transpose3A {offsets = [32, 0], sizes = [32, 1024], strides = [1, 1]} : vector<128x1024xf32> to vector<32x1024xf32>
    %swap3A_8 = arith.constant 0 : index
    %swap3A_9 = arith.constant 0 : index
    %swap3A_10 = arith.constant 1024 : index
    %swap3A_11 = vector.load %arg3[%swap3A_8, %swap3A_9, %swap3A_10] : memref<1x32x4096xf32, #tpu.memory_space<vmem>>, vector<1x32x1024xf32>
    %swap3A_12 = vector.shape_cast %swap3A_11 : vector<1x32x1024xf32> to vector<32x1024xf32>
    %swap3A_13 = vector.shape_cast %slice3A_7 : vector<32x1024xf32> to vector<1x32x1024xf32>
    tpu.vector_store %arg3[%swap3A_8, %swap3A_9, %swap3A_10], %swap3A_13 {strides = array<i32>} : memref<1x32x4096xf32, #tpu.memory_space<vmem>>, vector<1x32x1024xf32>,
    %slice3A_14 = vector.extract_strided_slice %transpose3A {offsets = [64, 0], sizes = [32, 1024], strides = [1, 1]} : vector<128x1024xf32> to vector<32x1024xf32>
    %swap3A_15 = arith.constant 0 : index
    %swap3A_16 = arith.constant 0 : index
    %swap3A_17 = arith.constant 2048 : index
    %swap3A_18 = vector.load %arg3[%swap3A_15, %swap3A_16, %swap3A_17] : memref<1x32x4096xf32, #tpu.memory_space<vmem>>, vector<1x32x1024xf32>
    %swap3A_19 = vector.shape_cast %swap3A_18 : vector<1x32x1024xf32> to vector<32x1024xf32>
    %swap3A_20 = vector.shape_cast %slice3A_14 : vector<32x1024xf32> to vector<1x32x1024xf32>
    tpu.vector_store %arg3[%swap3A_15, %swap3A_16, %swap3A_17], %swap3A_20 {strides = array<i32>} : memref<1x32x4096xf32, #tpu.memory_space<vmem>>, vector<1x32x1024xf32>,
    %slice3A_21 = vector.extract_strided_slice %transpose3A {offsets = [96, 0], sizes = [32, 1024], strides = [1, 1]} : vector<128x1024xf32> to vector<32x1024xf32>
    %swap3A_22 = arith.constant 0 : index
    %swap3A_23 = arith.constant 0 : index
    %swap3A_24 = arith.constant 3072 : index
    %swap3A_25 = vector.load %arg3[%swap3A_22, %swap3A_23, %swap3A_24] : memref<1x32x4096xf32, #tpu.memory_space<vmem>>, vector<1x32x1024xf32>
    %swap3A_26 = vector.shape_cast %swap3A_25 : vector<1x32x1024xf32> to vector<32x1024xf32>
    %swap3A_27 = vector.shape_cast %slice3A_21 : vector<32x1024xf32> to vector<1x32x1024xf32>
    tpu.vector_store %arg3[%swap3A_22, %swap3A_23, %swap3A_24], %swap3A_27 {strides = array<i32>} : memref<1x32x4096xf32, #tpu.memory_space<vmem>>, vector<1x32x1024xf32>,
    return
  }
  func.func @transform_0(%arg0: i32, %arg1: i32) -> (i32, i32) {
    %mul3A = arith.constant 4 : i32
    %mul3A_0 = arith.muli %arg0, %mul3A : i32
    %add3A = arith.addi %mul3A_0, %arg1 : i32
    %c0_i32 = arith.constant 0 : i32
    %c0_i32_1 = arith.constant 0 : i32
    return %add3A, %c0_i32 : i32, i32
  }
  func.func @transform_1(%arg0: i32, %arg1: i32) -> (i32, i32, i32) {
    %c0_i32 = arith.constant 0 : i32
    %c0_i32_0 = arith.constant 0 : i32
    return %arg0, %c0_i32, %arg1 : i32, i32, i32
  }
}

</mosaic_0001>

<sc_bundles>
// kernel: kernel.5.cloned.1.call-start
scs
__scs_entry_jumppad:
0x0: {  	(pc) =	sbr.rel $0x88, $3  }
0x1: {  	(tag) =	ssettag $0x0;
	lr =	simm.s32 $0x1  }
0x2: {  	[smem:$0x3F9F] =	sst lr;
	_ =	strace $0xD0000000  }
0x3: {  	_ = 	snop  }
0x4: {  	_ = 	snop  }
0x5: {  	_ = 	snop  }
0x6: {  	_ = 	snop  }
0x7: {  	_ = 	snop  }
__scs_overlays_trampoline_lowered:
0x8: {  	[smem:$0x3FAE] =	sst s0  }
0x9: {  	[smem:$0x3FAF] =	sst s1  }
0xa: {  	[smem:$0x3FB0] =	sst s2  }
0xb: {  	[smem:$0x3FB1] =	sst s3  }
0xc: {  	[smem:$0x3FB2] =	sst s4  }
0xd: {  	[smem:$0x3FB3] =	sst s5  }
0xe: {  	[smem:$0x3FB4] =	sst s6  }
0xf: {  	[smem:$0x3FB5] =	sst s7  }
0x10: {  	[smem:$0x3FB6] =	sst s8  }
0x11: {  	[smem:$0x3FB7] =	sst s9;
	s0 =	simm.s32 @!p0 $0x0  }
0x12: {  	s1 =	sld [smem:$0x3F9D];
	s0 =	simm.s32 @p0 $0x1  }
0x13: {  	[smem:$0x3FB8] =	sst s0;
	s0 =	simm.s32 @!p1 $0x0  }
0x14: {  	s2 =	sld [smem:$0x3F9C];
	s0 =	simm.s32 @p1 $0x1  }
0x15: {  	[smem:$0x3FB9] =	sst s0;
	s0 =	simm.s32 @!p2 $0x0  }
0x16: {  	s3 =	sld [smem:$0x3FDB];
	s0 =	simm.s32 @p2 $0x1  }
0x17: {  	s4 =	simm.s32 $0x1BF5;
	[smem:$0x3FBB] =	sst s0  }
0x18: {  	s0 =	sld [smem:$0x3F9E];
	_ =	swait.ge [sflag:s4], $0x0  }
0x19: {  	s7 =	sld [smem:$0x3F9F]  }
0x1a: {  	s8 =	sadd.s32 $0xFFFFE003, lr  }
0x1b: {  	s9 =	sadd.s32 $0xFFFFFEF7, lr;
	s5 =	simm.s32 $0xFFFFFFFF;
	p2 =	slt.u32 s8, $0xFFFFF086  }
0x1c: {  	p1 =	slt.u32 s9, $0xF7A;
	s5 =	simm.s32 @!p2 $0x0  }
0x1d: {  	s5 =	simm.s32 @p1 $0x1;
	p0 =	seq.s32 s7, s2  }
0x1e: {  	s7 =	smul.u32 @!p0 $0xF7A, s2;
	p2 =	seq.s32 @!p0 s5, $0x0  }
0x1f: {  	s9 =	smul.u32 $0xF7A, s1;
	s8 =	simm.s32 @!p0 $0x1BF5;
	p2 =	por !p2, p0  }
0x20: {  	[sflag:s8] =	ssyncset.s32 @!p0 $0xFFFFF086;
	s6 =	sadd.s32 @!p0 s3, s7;
	s7 =	simm.s32 @!p0 $0x108  }
0x21: {  	s3 =	sadd.s32 s3, s9;
	s6 =	sadd.s32 @!p0 $0x88, s6;
	s7 =	simm.s32 @p2 $0x1082  }
0x22: {  	[simem:s7], [sflag:s8] =	dma.local @!p0 [hbm:s6], $0xF7A  }
0x23: {  	s9 =	sor.u32 $0xD0000000, s2;
	s6 =	simm.s32 $0x108;
	_ =	swait.ge @!p0 [sflag:s8], $0x0  }
0x24: {  	s3 =	sadd.s32 $0x88, s3;
	s6 =	simm.s32 @!p1 $0x1082;
	[sflag:s4] =	ssyncset.s32 $0xFFFFF086  }
0x25: {  	[simem:s6], [sflag:s4] =	dma.local [hbm:s3], $0xF7A  }
0x26: {  	[smem:$0x3F9F] =	sst s1;
	(tag) =	ssettag s2;
	_ =	strace s9  }
0x27: {  	s1 =	sld [smem:$0x3FAF]  }
0x28: {  	s2 =	sld [smem:$0x3FB0]  }
0x29: {  	s4 =	sld [smem:$0x3FB2]  }
0x2a: {  	p0 =	seq.s32 s5, $0x0;
	s5 =	sld [smem:$0x3FB3]  }
0x2b: {  	s6 =	sld [smem:$0x3FB4]  }
0x2c: {  	s7 =	sld [smem:$0x3FB5]  }
0x2d: {  	s3 =	simm.s32 $0x108;
	s8 =	sld [smem:$0x3FB6]  }
0x2e: {  	s3 =	simm.s32 @!p0 $0x1082;
	s9 =	sld [smem:$0x3FB7]  }
0x2f: {  	lr =	sadd.s32 s0, s3;
	s0 =	sld [smem:$0x3FAE]  }
0x30: {  	s3 =	sld [smem:$0x3FB1]  }
0x31: {  	[smem:$0x3FBA] =	sst s10  }
0x32: {  	s10 =	sld [smem:$0x3FB8];
	_ =	sdelay $0x3  }
0x33: {  	p0 =	seq.s32 s10, $0x1;
	s10 =	sld [smem:$0x3FBA];
	_ =	sdelay $0x3  }
0x34: {  	[smem:$0x3FBA] =	sst s10  }
0x35: {  	s10 =	sld [smem:$0x3FB9];
	_ =	sdelay $0x3  }
0x36: {  	p1 =	seq.s32 s10, $0x1;
	s10 =	sld [smem:$0x3FBA];
	_ =	sdelay $0x3  }
0x37: {  	[smem:$0x3FBA] =	sst s10  }
0x38: {  	s10 =	sld [smem:$0x3FBB]  }
0x39: {  	_ = 	snop;
	(pc) =	sbr.ind lr, $3  }
0x3a: {  	_ = 	snop  }
0x3b: {  	_ = 	snop  }
0x3c: {  	p2 =	seq.s32 s10, $0x1;
	s10 =	sld [smem:$0x3FBA]  }
0x3d: {  	_ =	shalt  }
0x3e: {  	_ =	shalt  }
0x3f: {  	_ =	shalt  }
0x40: {  	_ =	shalt  }
0x41: {  	_ =	shalt  }
0x42: {  	_ =	shalt  }
0x43: {  	_ =	shalt  }
0x44: {  	_ =	shalt  }
0x45: {  	_ =	shalt  }
0x46: {  	_ =	shalt  }
0x47: {  	_ =	shalt  }
0x48: {  	_ =	shalt  }
0x49: {  	_ =	shalt  }
0x4a: {  	_ =	shalt  }
0x4b: {  	_ =	shalt  }
0x4c: {  	_ =	shalt  }
0x4d: {  	_ =	shalt  }
0x4e: {  	_ =	shalt  }
0x4f: {  	_ =	shalt  }
0x50: {  	_ =	shalt  }
0x51: {  	_ =	shalt  }
0x52: {  	_ =	shalt  }
0x53: {  	_ =	shalt  }
0x54: {  	_ =	shalt  }
0x55: {  	_ =	shalt  }
0x56: {  	_ =	shalt  }
0x57: {  	_ =	shalt  }
0x58: {  	_ =	shalt  }
0x59: {  	_ =	shalt  }
0x5a: {  	_ =	shalt  }
0x5b: {  	_ =	shalt  }
0x5c: {  	_ =	shalt  }
0x5d: {  	_ =	shalt  }
0x5e: {  	_ =	shalt  }
0x5f: {  	_ =	shalt  }
0x60: {  	_ =	shalt  }
0x61: {  	_ =	shalt  }
0x62: {  	_ =	shalt  }
0x63: {  	_ =	shalt  }
0x64: {  	_ =	shalt  }
0x65: {  	_ =	shalt  }
0x66: {  	_ =	shalt  }
0x67: {  	_ =	shalt  }
0x68: {  	_ =	shalt  }
0x69: {  	_ =	shalt  }
0x6a: {  	_ =	shalt  }
0x6b: {  	_ =	shalt  }
0x6c: {  	_ =	shalt  }
0x6d: {  	_ =	shalt  }
0x6e: {  	_ =	shalt  }
0x6f: {  	_ =	shalt  }
0x70: {  	_ =	shalt  }
0x71: {  	_ =	shalt  }
0x72: {  	_ =	shalt  }
0x73: {  	_ =	shalt  }
0x74: {  	_ =	shalt  }
0x75: {  	_ =	shalt  }
0x76: {  	_ =	shalt  }
0x77: {  	_ =	shalt  }
0x78: {  	_ =	shalt  }
0x79: {  	_ =	shalt  }
0x7a: {  	_ =	shalt  }
0x7b: {  	_ =	shalt  }
0x7c: {  	_ =	shalt  }
0x7d: {  	_ =	shalt  }
0x7e: {  	_ =	shalt  }
0x7f: {  	_ =	shalt  }
0x80: {  	_ =	shalt  }
0x81: {  	_ =	shalt  }
0x82: {  	_ =	shalt  }
0x83: {  	_ =	shalt  }
0x84: {  	_ =	shalt  }
0x85: {  	_ =	shalt  }
0x86: {  	_ =	shalt  }
0x87: {  	_ =	shalt  }
.Lfunc_end0:
.L_simem_size_0:
called_computation_lowered:
.L_overlay_start_0:
0x88: {  	s2 =	sld [smem:$0x3FD9]  }
0x89: {  	s3 =	sld [smem:$0x3FFE];
	_ =	sdelay $0x1  }
0x8a: {  	s1 =	srdreg.scid  }
0x8b: {  	s0 =	sand.u32 $0x1, s1  }
0x8c: {  	s16 =	sshll.u32 s0, $0xA;
	s2 =	sadd.s32 s3, s2  }
0x8d: {  	s2 =	sadd.s32 s2, s16  }
0x8e: {  	[smem:$0x3FC6] =	sst s2  }
0x8f: {  	_ = 	snop  }
0x90: {  	(tm) =	ssettm $0x1  }
0x91: {  	s17 =	sld [smem:$0x3FFB];
	_ =	sdelay $0x3  }
0x92: {  	_ =	strace s17  }
0x93: {  	s2 =	sld [smem:$0x3FFC];
	_ =	sdelay $0x3  }
0x94: {  	_ =	strace s2  }
0x95: {  	s2 =	sld [smem:$0x3FFD];
	_ =	sdelay $0x3  }
0x96: {  	_ =	strace s2  }
0x97: {  	_ =	strace $0x8FFFFFFF  }
0x98: {  	s18 =	sld [smem:$0x3FDB];
	_ =	sdelay $0x1  }
0x99: {  	s19 =	simm.s32 $_scs_section_size  }
0x9a: {  	s4 =	simm.s32 $_size__tile_overlayer_lowered;
	s5 =	simm.s32 $_tile_overlayer_lowered  }
0x9b: {  	s22 =	simm.s32 $0x1BFF;
	s21 =	sshll.u32 s5, $0x1;
	s2 =	sadd.s32 s19, s18  }
0x9c: {  	s6 =	simm.s32 $0x0;
	s20 =	sshll.u32 s4, $0x1;
	s4 =	sadd.s32 s21, s2  }
0x9d: {  	[timem:s6], [sflag:s22] =	dma.local [hbm:s4], s20  }
0x9e: {  	_ =	swait.ge [sflag:s22], s20  }
0x9f: {  	s3 =	ssub.s32 $0x0, s20;
	[sflag:s22] =	ssyncset.done $0x0  }
0xa0: {  	[sflag:s22] =	ssyncadd.s32 s3;
	_ =	sdelay $0x1  }
0xa1: {  	s23 =	simm.s32 $0x1B8B  }
0xa2: {  	_ =	swait.ge [sflag:s23], $0x1  }
0xa3: {  	[sflag:s23] =	ssyncset.done $0x0  }
0xa4: {  	s25 =	simm.s32 $0x1B8E;
	s24 =	sld [smem:$0x3FFE];
	[sflag:s23] =	ssyncadd.s32 $0xFFFFFFFF  }
0xa5: {  	s26 =	simm.s32 $execute0_lowered;
	[smem:$0x3FD2] =	sst s25  }
0xa6: {  	s4 =	sshll.u32 s26, $0x1;
	_ =	strace $0x80000046;
	[dreg:$0x1] =	wrdreg $0xFFFFFFFF  }
0xa7: {  	s28 =	simm.s32 $_size_execute0_lowered;
	s2 =	sadd.s32 s2, s4;
	[dreg:$0x0] =	wrdreg $0x0  }
0xa8: {  	s4 =	sshll.u32 s28, $0x1;
	[dreg:$0x2] =	wrdreg s2  }
0xa9: {  	[dreg:$0x3] =	wrdreg s4  }
0xaa: {  	[dreg:$0x4] =	wrdreg $0xC0  }
0xab: {  	_ =	task [dreg:s6], $0x5FFFF  }
0xac: {  	[dreg:$0x1] =	wrdreg $0xFFFFFFFF  }
0xad: {  	[dreg:$0x0] =	wrdreg $0x60  }
0xae: {  	[dreg:$0x2] =	wrdreg s24  }
0xaf: {  	[dreg:$0x3] =	wrdreg $0x9  }
0xb0: {  	_ =	task.clear_ibuf [dreg:s6], $0x4FFFF;
	_ =	strace $0x90000046  }
0xb1: {  	s29 =	simm.s32 $0x9;
	_ =	strace $0x80000048  }
0xb2: {  	_ =	swait.ge [sflag:s29], $0x1  }
0xb3: {  	[sflag:s29] =	ssyncadd.s32 $0xFFFFFFFF  }
0xb4: {  	_ =	strace $0x90000048  }
0xb5: {  	_ =	sfence  }
0xb6: {  	s30 =	sld [smem:$0x0];
	_ =	sdelay $0x2  }
0xb7: {  	s31 =	sshll.u32 s1, $0xD;
	s1 =	sshrl.u32 s1, $0x2  }
0xb8: {  	s3 =	sand.u32 $0x4000, s31;
	s1 =	sadd.s32 s1, s30  }
0xb9: {  	s0 =	sor.u32 s3, s0;
	s1 =	sshll.u32 s1, $0x11  }
0xba: {  	s0 =	sor.u32 s1, s0  }
0xbb: {  	s0 =	sadd.s32 $0x8F2B, s0  }
0xbc: {  	[sflag:s0] =	ssyncadd.remote.s32 $0x1  }
0xbd: {  	_ =	sfence.sel $0xFFFF  }
0xbe: {  	[dreg:$0x0] =	wrdreg $0xFFFFFFFF;
	(pc) =	sbr.abs _section_cstart, $3  }
0xbf: {  	[dreg:$0x1] =	wrdreg $0xFFFFFFFF  }
0xc0: {  	_ =	task.clear_ibuf [dreg:s6], $0x2FFFF;
	_ =	strace $0x9FFFFFFF  }
0xc1: {  	(tm) =	ssettm $0x7FFFFFFF  }
tec
execute0_lowered:
.L_overlay_start_1:
0x0: {  	(tag) =	ssettag $0x1  }
0x1: {  	s1 =	srdreg.scid;
	s0 =	stileid.u32  }
0x2: {  	s4 =	rddreg [dreg:$0x0];
	s2 =	simm.s32 $0x0;
	s9 =	simm.s32 $0x4400  }
0x3: {  	s10 =	simm.s32 $0x6400;
	s11 =	simm.s32 $0x7400;
	s12 =	simm.s32 $0x8400  }
0x4: {  	s13 =	simm.s32 $0x9400;
	s14 =	simm.s32 $0xA400;
	s15 =	simm.s32 $0xB400  }
0x5: {  	s16 =	simm.s32 $0xC400;
	s17 =	simm.s32 $0xD400;
	s18 =	simm.s32 $0xE400  }
0x6: {  	s19 =	simm.s32 $0xF400;
	s20 =	simm.s32 $0x1;
	s21 =	simm.s32 $0x2  }
0x7: {  	s22 =	simm.s32 $0x0;
	s3 =	sand.u32 $0x1, s1;
	s1 =	rddreg [dreg:$0x1]  }
0x8: {  	s29 =	sshll.u32 s0, $0x1;
	[smem:$0x7FF] =	sst s2;
	s6 =	smul.u32 $0x1A000, s0  }
0x9: {  	s5 =	sor.u32 s3, s29;
	_ =	strace $0x80000047;
	s7 =	smul.u32 $0xD000, s3  }
0xa: {  	s8 =	ssub.s32 $0x2, s3;
	s3 =	sadd.s32 $0xD400, s4;
	[dreg:$0x3] =	wrdreg s9  }
0xb: {  	s5 =	smul.u32 $0x3400, s5;
	s6 =	sadd.s32 s6, s4;
	s30 =	sshrl.u32 s8, $0x1  }
0xc: {  	s9 =	simm.s32 $0x5400;
	s6 =	sadd.s32 s7, s6;
	s31 =	ssub.s32 s8, s30  }
0xd: {  	s7 =	simm.s32 $0x80;
	s5 =	sshrl.u32 s5, $0x3;
	s6 =	sadd.s32 $0x3ED400, s6  }
0xe: {  	s8 =	simm.s32 $0x3400;
	s5 =	sadd.s32 s5, s4;
	[dreg:$0x2] =	wrdreg s6  }
0xf: {  	s6 =	simm.s32 $0x3;
	s4 =	sadd.s32 $0x400, s5;
	s5 =	smax.u32 s31, $0x1  }
.LBB2_1:
0x10: {  	[tilespmem:s2], [sflag:$0x3] =	stream.linear.gather [hbm4b:s4+s2], $0x3400, $0x38;
	[tilespmem:$0x10400] =	vst v63  }
0x11: {  	_ =	swait.ge [sflag:s6], $0x3400  }
0x12: {  	[sflag:s6] =	ssyncset.done $0x0  }
0x13: {  	s23 =	simm.s32 $0x0;
	[sflag:s6] =	ssyncadd.s32 $0xFFFFCC00  }
0x14: {  	[tilespmem:s8], [sflag:$0x1] =	stream.indirect.gather [hbm4b:s3+s7], $0x20, s23, s7, $0xb8;
	[tilespmem:$0x10400] =	vst v63  }
0x15: {  	s25 =	simm.s32 $0x80;
	s24 =	rddreg [dreg:$0x3]  }
0x16: {  	[tilespmem:s24], [sflag:$0x1] =	stream.indirect.gather [hbm4b:s3+s7], $0x20, s25, s7, $0xb8;
	[tilespmem:$0x10400] =	vst v63  }
0x17: {  	s26 =	simm.s32 $0x100  }
0x18: {  	[tilespmem:s9], [sflag:$0x1] =	stream.indirect.gather [hbm4b:s3+s7], $0x20, s26, s7, $0xb8;
	[tilespmem:$0x10400] =	vst v63  }
0x19: {  	s28 =	simm.s32 $0x180  }
0x1a: {  	[tilespmem:s10], [sflag:$0x1] =	stream.indirect.gather [hbm4b:s3+s7], $0x20, s28, s7, $0xb8;
	[tilespmem:$0x10400] =	vst v63  }
0x1b: {  	s29 =	simm.s32 $0x200  }
0x1c: {  	[tilespmem:s11], [sflag:$0x1] =	stream.indirect.gather [hbm4b:s3+s7], $0x20, s29, s7, $0xb8;
	[tilespmem:$0x10400] =	vst v63  }
0x1d: {  	s30 =	simm.s32 $0x280  }
0x1e: {  	[tilespmem:s12], [sflag:$0x1] =	stream.indirect.gather [hbm4b:s3+s7], $0x20, s30, s7, $0xb8;
	[tilespmem:$0x10400] =	vst v63  }
0x1f: {  	s31 =	simm.s32 $0x300  }
0x20: {  	[tilespmem:s13], [sflag:$0x1] =	stream.indirect.gather [hbm4b:s3+s7], $0x20, s31, s7, $0xb8;
	[tilespmem:$0x10400] =	vst v63  }
0x21: {  	s24 =	simm.s32 $0x380  }
0x22: {  	[tilespmem:s14], [sflag:$0x1] =	stream.indirect.gather [hbm4b:s3+s7], $0x20, s24, s7, $0xb8;
	[tilespmem:$0x10400] =	vst v63  }
0x23: {  	s25 =	simm.s32 $0x400  }
0x24: {  	[tilespmem:s15], [sflag:$0x1] =	stream.indirect.gather [hbm4b:s3+s7], $0x20, s25, s7, $0xb8;
	[tilespmem:$0x10400] =	vst v63  }
0x25: {  	s26 =	simm.s32 $0x480  }
0x26: {  	[tilespmem:s16], [sflag:$0x1] =	stream.indirect.gather [hbm4b:s3+s7], $0x20, s26, s7, $0xb8;
	[tilespmem:$0x10400] =	vst v63  }
0x27: {  	s28 =	simm.s32 $0x500  }
0x28: {  	[tilespmem:s17], [sflag:$0x1] =	stream.indirect.gather [hbm4b:s3+s7], $0x20, s28, s7, $0xb8;
	[tilespmem:$0x10400] =	vst v63  }
0x29: {  	s29 =	simm.s32 $0x580  }
0x2a: {  	[tilespmem:s18], [sflag:$0x1] =	stream.indirect.gather [hbm4b:s3+s7], $0x20, s29, s7, $0xb8;
	[tilespmem:$0x10400] =	vst v63  }
0x2b: {  	s30 =	simm.s32 $0x600  }
0x2c: {  	[tilespmem:s19], [sflag:$0x1] =	stream.indirect.gather [hbm4b:s3+s7], $0x20, s30, s7, $0xb8;
	[tilespmem:$0x10400] =	vst v63  }
0x2d: {  	_ =	swait.ge [sflag:s20], $0x1000  }
0x2e: {  	[sflag:s20] =	ssyncset.done $0x0  }
0x2f: {  	[sflag:s20] =	ssyncadd.s32 $0xFFFFF000  }
0x30: {  	_ =	swait.ge [sflag:s20], $0x1000  }
0x31: {  	[sflag:s20] =	ssyncset.done $0x0  }
0x32: {  	[sflag:s20] =	ssyncadd.s32 $0xFFFFF000  }
0x33: {  	_ =	swait.ge [sflag:s20], $0x1000  }
0x34: {  	[sflag:s20] =	ssyncset.done $0x0  }
0x35: {  	[sflag:s20] =	ssyncadd.s32 $0xFFFFF000  }
0x36: {  	_ =	swait.ge [sflag:s20], $0x1000  }
0x37: {  	[sflag:s20] =	ssyncset.done $0x0  }
0x38: {  	[sflag:s20] =	ssyncadd.s32 $0xFFFFF000  }
0x39: {  	_ =	swait.ge [sflag:s20], $0x1000  }
0x3a: {  	[sflag:s20] =	ssyncset.done $0x0  }
0x3b: {  	[sflag:s20] =	ssyncadd.s32 $0xFFFFF000  }
0x3c: {  	_ =	swait.ge [sflag:s20], $0x1000  }
0x3d: {  	[sflag:s20] =	ssyncset.done $0x0  }
0x3e: {  	[sflag:s20] =	ssyncadd.s32 $0xFFFFF000  }
0x3f: {  	_ =	swait.ge [sflag:s20], $0x1000  }
0x40: {  	[sflag:s20] =	ssyncset.done $0x0  }
0x41: {  	[sflag:s20] =	ssyncadd.s32 $0xFFFFF000  }
0x42: {  	_ =	swait.ge [sflag:s20], $0x1000  }
0x43: {  	[sflag:s20] =	ssyncset.done $0x0  }
0x44: {  	[sflag:s20] =	ssyncadd.s32 $0xFFFFF000  }
0x45: {  	_ =	swait.ge [sflag:s20], $0x1000  }
0x46: {  	[sflag:s20] =	ssyncset.done $0x0  }
0x47: {  	[sflag:s20] =	ssyncadd.s32 $0xFFFFF000  }
0x48: {  	_ =	swait.ge [sflag:s20], $0x1000  }
0x49: {  	[sflag:s20] =	ssyncset.done $0x0  }
0x4a: {  	[sflag:s20] =	ssyncadd.s32 $0xFFFFF000  }
0x4b: {  	_ =	swait.ge [sflag:s20], $0x1000  }
0x4c: {  	[sflag:s20] =	ssyncset.done $0x0  }
0x4d: {  	[sflag:s20] =	ssyncadd.s32 $0xFFFFF000  }
0x4e: {  	_ =	swait.ge [sflag:s20], $0x1000  }
0x4f: {  	[sflag:s20] =	ssyncset.done $0x0  }
0x50: {  	[sflag:s20] =	ssyncadd.s32 $0xFFFFF000  }
0x51: {  	_ =	swait.ge [sflag:s20], $0x1000  }
0x52: {  	s31 =	rddreg [dreg:$0x2];
	[sflag:s20] =	ssyncset.done $0x0  }
0x53: {  	[sflag:s20] =	ssyncadd.s32 $0xFFFFF000;
	s23 =	sadd.s32 $0x0, s31  }
0x54: {  	[hbm4b:s23+s2] =	stream.linear.scatter [tilespmem:s8], [sflag:$0x2], $0xD000, $0x38;
	[tilespmem:$0x10400] =	vst v63  }
0x55: {  	_ =	swait.ge [sflag:s21], $0xD000  }
0x56: {  	s24 =	simm.s32 $0x3400;
	s23 =	simm.s32 $0x1A00;
	[sflag:s21] =	ssyncset.done $0x0  }
.LBB2_2:
0x57: {  	s26 =	sshra.s32 s23, $0x2;
	[sflag:s21] =	ssyncadd.s32 $0xFFFF3000  }
0x58: {  	[tilespmem:s8], [sflag:$0x1] =	stream.indirect.gather [hbm4b:s3+s7], $0x20, s26, s7, $0xb8;
	[tilespmem:$0x10400] =	vst v63  }
0x59: {  	s28 =	rddreg [dreg:$0x3];
	s29 =	sadd.s32 $0x80, s26  }
0x5a: {  	[tilespmem:s28], [sflag:$0x1] =	stream.indirect.gather [hbm4b:s3+s7], $0x20, s29, s7, $0xb8;
	[tilespmem:$0x10400] =	vst v63  }
0x5b: {  	s30 =	sadd.s32 $0x100, s26  }
0x5c: {  	[tilespmem:s9], [sflag:$0x1] =	stream.indirect.gather [hbm4b:s3+s7], $0x20, s30, s7, $0xb8;
	[tilespmem:$0x10400] =	vst v63  }
0x5d: {  	s31 =	sadd.s32 $0x180, s26  }
0x5e: {  	[tilespmem:s10], [sflag:$0x1] =	stream.indirect.gather [hbm4b:s3+s7], $0x20, s31, s7, $0xb8;
	[tilespmem:$0x10400] =	vst v63  }
0x5f: {  	s29 =	sadd.s32 $0x200, s26  }
0x60: {  	[tilespmem:s11], [sflag:$0x1] =	stream.indirect.gather [hbm4b:s3+s7], $0x20, s29, s7, $0xb8;
	[tilespmem:$0x10400] =	vst v63  }
0x61: {  	s30 =	sadd.s32 $0x280, s26  }
0x62: {  	[tilespmem:s12], [sflag:$0x1] =	stream.indirect.gather [hbm4b:s3+s7], $0x20, s30, s7, $0xb8;
	[tilespmem:$0x10400] =	vst v63  }
0x63: {  	s31 =	sadd.s32 $0x300, s26  }
0x64: {  	[tilespmem:s13], [sflag:$0x1] =	stream.indirect.gather [hbm4b:s3+s7], $0x20, s31, s7, $0xb8;
	[tilespmem:$0x10400] =	vst v63  }
0x65: {  	s29 =	sadd.s32 $0x380, s26  }
0x66: {  	[tilespmem:s14], [sflag:$0x1] =	stream.indirect.gather [hbm4b:s3+s7], $0x20, s29, s7, $0xb8;
	[tilespmem:$0x10400] =	vst v63  }
0x67: {  	s30 =	sadd.s32 $0x400, s26  }
0x68: {  	[tilespmem:s15], [sflag:$0x1] =	stream.indirect.gather [hbm4b:s3+s7], $0x20, s30, s7, $0xb8;
	[tilespmem:$0x10400] =	vst v63  }
0x69: {  	s31 =	sadd.s32 $0x480, s26  }
0x6a: {  	[tilespmem:s16], [sflag:$0x1] =	stream.indirect.gather [hbm4b:s3+s7], $0x20, s31, s7, $0xb8;
	[tilespmem:$0x10400] =	vst v63  }
0x6b: {  	s29 =	sadd.s32 $0x500, s26  }
0x6c: {  	[tilespmem:s17], [sflag:$0x1] =	stream.indirect.gather [hbm4b:s3+s7], $0x20, s29, s7, $0xb8;
	[tilespmem:$0x10400] =	vst v63  }
0x6d: {  	s30 =	sadd.s32 $0x580, s26  }
0x6e: {  	[tilespmem:s18], [sflag:$0x1] =	stream.indirect.gather [hbm4b:s3+s7], $0x20, s30, s7, $0xb8;
	[tilespmem:$0x10400] =	vst v63  }
0x6f: {  	s26 =	sadd.s32 $0x600, s26  }
0x70: {  	[tilespmem:s19], [sflag:$0x1] =	stream.indirect.gather [hbm4b:s3+s7], $0x20, s26, s7, $0xb8;
	[tilespmem:$0x10400] =	vst v63  }
0x71: {  	_ =	swait.ge [sflag:s20], $0x1000  }
0x72: {  	[sflag:s20] =	ssyncset.done $0x0  }
0x73: {  	[sflag:s20] =	ssyncadd.s32 $0xFFFFF000  }
0x74: {  	_ =	swait.ge [sflag:s20], $0x1000  }
0x75: {  	[sflag:s20] =	ssyncset.done $0x0  }
0x76: {  	[sflag:s20] =	ssyncadd.s32 $0xFFFFF000  }
0x77: {  	_ =	swait.ge [sflag:s20], $0x1000  }
0x78: {  	[sflag:s20] =	ssyncset.done $0x0  }
0x79: {  	[sflag:s20] =	ssyncadd.s32 $0xFFFFF000  }
0x7a: {  	_ =	swait.ge [sflag:s20], $0x1000  }
0x7b: {  	[sflag:s20] =	ssyncset.done $0x0  }
0x7c: {  	[sflag:s20] =	ssyncadd.s32 $0xFFFFF000  }
0x7d: {  	_ =	swait.ge [sflag:s20], $0x1000  }
0x7e: {  	[sflag:s20] =	ssyncset.done $0x0  }
0x7f: {  	[sflag:s20] =	ssyncadd.s32 $0xFFFFF000  }
0x80: {  	_ =	swait.ge [sflag:s20], $0x1000  }
0x81: {  	[sflag:s20] =	ssyncset.done $0x0  }
0x82: {  	[sflag:s20] =	ssyncadd.s32 $0xFFFFF000  }
0x83: {  	_ =	swait.ge [sflag:s20], $0x1000  }
0x84: {  	[sflag:s20] =	ssyncset.done $0x0  }
0x85: {  	[sflag:s20] =	ssyncadd.s32 $0xFFFFF000  }
0x86: {  	_ =	swait.ge [sflag:s20], $0x1000  }
0x87: {  	[sflag:s20] =	ssyncset.done $0x0  }
0x88: {  	[sflag:s20] =	ssyncadd.s32 $0xFFFFF000  }
0x89: {  	_ =	swait.ge [sflag:s20], $0x1000  }
0x8a: {  	[sflag:s20] =	ssyncset.done $0x0  }
0x8b: {  	[sflag:s20] =	ssyncadd.s32 $0xFFFFF000  }
0x8c: {  	_ =	swait.ge [sflag:s20], $0x1000  }
0x8d: {  	[sflag:s20] =	ssyncset.done $0x0  }
0x8e: {  	[sflag:s20] =	ssyncadd.s32 $0xFFFFF000  }
0x8f: {  	_ =	swait.ge [sflag:s20], $0x1000  }
0x90: {  	[sflag:s20] =	ssyncset.done $0x0  }
0x91: {  	[sflag:s20] =	ssyncadd.s32 $0xFFFFF000  }
0x92: {  	_ =	swait.ge [sflag:s20], $0x1000  }
0x93: {  	[sflag:s20] =	ssyncset.done $0x0  }
0x94: {  	[sflag:s20] =	ssyncadd.s32 $0xFFFFF000  }
0x95: {  	p0 =	sne.s32 s24, $0xB600;
	_ =	swait.ge [sflag:s20], $0x1000  }
.Ltmp0:
0x96: {  	s31 =	rddreg [dreg:$0x2];
	[sflag:s20] =	ssyncset.done $0x0;
	(pc) =	sbr.rel @p0 .LBB2_2-.Ltmp0, $4  }
0x97: {  	[sflag:s20] =	ssyncadd.s32 $0xFFFFF000;
	s26 =	sadd.s32 s23, s31  }
0x98: {  	[hbm4b:s26+s2] =	stream.linear.scatter [tilespmem:s8], [sflag:$0x2], $0xD000, $0x38;
	[tilespmem:$0x10400] =	vst v63  }
0x99: {  	s25 =	smov.u32 s24;
	_ =	swait.ge [sflag:s21], $0xD000  }
0x9a: {  	s24 =	sadd.s32 $0x1A00, s24;
	s23 =	smov.u32 s25;
	[sflag:s21] =	ssyncset.done $0x0  }
0x9b: {  	s24 =	sshra.s32 s23, $0x2;
	[sflag:s21] =	ssyncadd.s32 $0xFFFF3000  }
0x9c: {  	[tilespmem:s8], [sflag:$0x1] =	stream.indirect.gather [hbm4b:s3+s7], $0x20, s24, s7, $0xb8;
	[tilespmem:$0x10400] =	vst v63  }
0x9d: {  	s25 =	rddreg [dreg:$0x3];
	s26 =	sadd.s32 $0x80, s24  }
0x9e: {  	[tilespmem:s25], [sflag:$0x1] =	stream.indirect.gather [hbm4b:s3+s7], $0x20, s26, s7, $0xb8;
	[tilespmem:$0x10400] =	vst v63  }
0x9f: {  	s30 =	sadd.s32 $0x100, s24  }
0xa0: {  	[tilespmem:s9], [sflag:$0x1] =	stream.indirect.gather [hbm4b:s3+s7], $0x20, s30, s7, $0xb8;
	[tilespmem:$0x10400] =	vst v63  }
0xa1: {  	s31 =	sadd.s32 $0x180, s24  }
0xa2: {  	[tilespmem:s10], [sflag:$0x1] =	stream.indirect.gather [hbm4b:s3+s7], $0x20, s31, s7, $0xb8;
	[tilespmem:$0x10400] =	vst v63  }
0xa3: {  	s26 =	sadd.s32 $0x200, s24  }
0xa4: {  	[tilespmem:s11], [sflag:$0x1] =	stream.indirect.gather [hbm4b:s3+s7], $0x20, s26, s7, $0xb8;
	[tilespmem:$0x10400] =	vst v63  }
0xa5: {  	s28 =	sadd.s32 $0x280, s24  }
0xa6: {  	[tilespmem:s12], [sflag:$0x1] =	stream.indirect.gather [hbm4b:s3+s7], $0x20, s28, s7, $0xb8;
	[tilespmem:$0x10400] =	vst v63  }
0xa7: {  	s29 =	sadd.s32 $0x300, s24  }
0xa8: {  	[tilespmem:s13], [sflag:$0x1] =	stream.indirect.gather [hbm4b:s3+s7], $0x20, s29, s7, $0xb8;
	[tilespmem:$0x10400] =	vst v63  }
0xa9: {  	s30 =	sadd.s32 $0x380, s24  }
0xaa: {  	[tilespmem:s14], [sflag:$0x1] =	stream.indirect.gather [hbm4b:s3+s7], $0x20, s30, s7, $0xb8;
	[tilespmem:$0x10400] =	vst v63  }
0xab: {  	s31 =	sadd.s32 $0x400, s24  }
0xac: {  	[tilespmem:s15], [sflag:$0x1] =	stream.indirect.gather [hbm4b:s3+s7], $0x20, s31, s7, $0xb8;
	[tilespmem:$0x10400] =	vst v63  }
0xad: {  	s26 =	sadd.s32 $0x480, s24  }
0xae: {  	[tilespmem:s16], [sflag:$0x1] =	stream.indirect.gather [hbm4b:s3+s7], $0x20, s26, s7, $0xb8;
	[tilespmem:$0x10400] =	vst v63  }
0xaf: {  	s28 =	sadd.s32 $0x500, s24  }
0xb0: {  	[tilespmem:s17], [sflag:$0x1] =	stream.indirect.gather [hbm4b:s3+s7], $0x20, s28, s7, $0xb8;
	[tilespmem:$0x10400] =	vst v63  }
0xb1: {  	s29 =	sadd.s32 $0x580, s24  }
0xb2: {  	[tilespmem:s18], [sflag:$0x1] =	stream.indirect.gather [hbm4b:s3+s7], $0x20, s29, s7, $0xb8;
	[tilespmem:$0x10400] =	vst v63  }
0xb3: {  	s24 =	sadd.s32 $0x600, s24  }
0xb4: {  	[tilespmem:s19], [sflag:$0x1] =	stream.indirect.gather [hbm4b:s3+s7], $0x20, s24, s7, $0xb8;
	[tilespmem:$0x10400] =	vst v63  }
0xb5: {  	_ =	swait.ge [sflag:s20], $0x1000  }
0xb6: {  	[sflag:s20] =	ssyncset.done $0x0  }
0xb7: {  	[sflag:s20] =	ssyncadd.s32 $0xFFFFF000  }
0xb8: {  	_ =	swait.ge [sflag:s20], $0x1000  }
0xb9: {  	[sflag:s20] =	ssyncset.done $0x0  }
0xba: {  	[sflag:s20] =	ssyncadd.s32 $0xFFFFF000  }
0xbb: {  	_ =	swait.ge [sflag:s20], $0x1000  }
0xbc: {  	[sflag:s20] =	ssyncset.done $0x0  }
0xbd: {  	[sflag:s20] =	ssyncadd.s32 $0xFFFFF000  }
0xbe: {  	_ =	swait.ge [sflag:s20], $0x1000  }
0xbf: {  	[sflag:s20] =	ssyncset.done $0x0  }
0xc0: {  	[sflag:s20] =	ssyncadd.s32 $0xFFFFF000  }
0xc1: {  	_ =	swait.ge [sflag:s20], $0x1000  }
0xc2: {  	[sflag:s20] =	ssyncset.done $0x0  }
0xc3: {  	[sflag:s20] =	ssyncadd.s32 $0xFFFFF000  }
0xc4: {  	_ =	swait.ge [sflag:s20], $0x1000  }
0xc5: {  	[sflag:s20] =	ssyncset.done $0x0  }
0xc6: {  	[sflag:s20] =	ssyncadd.s32 $0xFFFFF000  }
0xc7: {  	_ =	swait.ge [sflag:s20], $0x1000  }
0xc8: {  	[sflag:s20] =	ssyncset.done $0x0  }
0xc9: {  	[sflag:s20] =	ssyncadd.s32 $0xFFFFF000  }
0xca: {  	_ =	swait.ge [sflag:s20], $0x1000  }
0xcb: {  	[sflag:s20] =	ssyncset.done $0x0  }
0xcc: {  	[sflag:s20] =	ssyncadd.s32 $0xFFFFF000  }
0xcd: {  	_ =	swait.ge [sflag:s20], $0x1000  }
0xce: {  	[sflag:s20] =	ssyncset.done $0x0  }
0xcf: {  	[sflag:s20] =	ssyncadd.s32 $0xFFFFF000  }
0xd0: {  	_ =	swait.ge [sflag:s20], $0x1000  }
0xd1: {  	[sflag:s20] =	ssyncset.done $0x0  }
0xd2: {  	[sflag:s20] =	ssyncadd.s32 $0xFFFFF000  }
0xd3: {  	_ =	swait.ge [sflag:s20], $0x1000  }
0xd4: {  	[sflag:s20] =	ssyncset.done $0x0  }
0xd5: {  	[sflag:s20] =	ssyncadd.s32 $0xFFFFF000  }
0xd6: {  	_ =	swait.ge [sflag:s20], $0x1000  }
0xd7: {  	[sflag:s20] =	ssyncset.done $0x0  }
0xd8: {  	[sflag:s20] =	ssyncadd.s32 $0xFFFFF000  }
0xd9: {  	s22 =	sadd.s32 $0x1, s22;
	_ =	swait.ge [sflag:s20], $0x1000  }
0xda: {  	p0 =	sne.s32 s22, s5;
	s30 =	rddreg [dreg:$0x2];
	[sflag:s20] =	ssyncset.done $0x0  }
.Ltmp1:
0xdb: {  	[sflag:s20] =	ssyncadd.s32 $0xFFFFF000;
	s31 =	sadd.s32 s23, s30;
	(pc) =	sbr.rel @p0 .LBB2_1-.Ltmp1, $4  }
0xdc: {  	[hbm4b:s31+s2] =	stream.linear.scatter [tilespmem:s8], [sflag:$0x2], $0xD000, $0x38;
	[tilespmem:$0x10400] =	vst v63  }
0xdd: {  	_ =	swait.ge [sflag:s21], $0xD000  }
0xde: {  	[sflag:s21] =	ssyncset.done $0x0  }
0xdf: {  	[sflag:s21] =	ssyncadd.s32 $0xFFFF3000  }
0xe0: {  	_ =	sfence.sel $0x180000  }
0xe1: {  	[bflag:$0x0] =	sbarrier.arrive $0xFFFF  }
0xe2: {  	p0 =	sne.s32 s0, $0x0;
	_ =	strace $0x90000047  }
0xe3: {  	s0 =	sadd.s32 @!p0 $0x100000, s1;
	[bflag:$0x2] =	sbarrier.arrive $0xFFFF  }
0xe4: {  	[sflag:s0] =	ssyncadd.tile.s32 @!p0 $0x1;
	_ =	shalt  }
.Lfunc_end2:
_tile_overlayer_lowered:
.L_overlay_start_2:
0xe5: {  	(tag) =	ssettag $0x2  }
0xe6: {  	s0 =	rddreg [dreg:$0x0];
	s2 =	stileid.u32  }
0xe7: {  	s1 =	rddreg [dreg:$0x1];
	p0 =	sne.s32 s2, $0x0  }
0xe8: {  	s3 =	rddreg [dreg:$0x2];
	[bflag:$0x3] =	sbarrier.arrive $0xFFFF;
	s2 =	simm.s32 @!p0 $0x1C03  }
0xe9: {  	[timem:s3], [sflag:s2] =	dma.local @!p0 [hbm:s0], s1  }
0xea: {  	s0 =	simm.s32 @!p0 $0x3  }
0xeb: {  	_ =	swait.ge @!p0 [sflag:s0], s1  }
0xec: {  	s1 =	ssub.s32 @!p0 $0x0, s1;
	[sflag:s0] =	ssyncset.done @!p0 $0x0  }
0xed: {  	[sflag:s0] =	ssyncadd.s32 @!p0 s1  }
0xee: {  	[bflag:$0x3] =	sbarrier.arrive $0xFFFF  }
0xef: {  	_ =	shalt  }

</sc_bundles>
